<compile_context>
chip_gen: v7x
topology: tpu7x:2x2x1
jax: 0.10.2.dev20260603
libtpu: 0.0.44.dev20260713+nightly
codegen_flags: <defaults>
</compile_context>

<pallas_src>
import functools

import jax
import jax.numpy as jnp
from jax import lax
from jax.experimental import pallas as pl
from jax.experimental.pallas import tpu as pltpu
from jax.experimental.pallas import tpu_sc as plsc

NU, NM, NE, DIN, DH = 50000, 10000, 800000, 128, 64
NC, NS = 2, 16
NW = NC * NS
CHUNK = 128
NCHUNK = NE // CHUNK
UHALF = NU // NC
UPAD = 25088
MPAD = 10240
DW = 8

_mesh = lambda: plsc.VectorSubcoreMesh(core_axis_name="c", subcore_axis_name="s")


def _sc_movie_pass(with_deg):
    out_type = [jax.ShapeDtypeStruct((NC, MPAD, DH), jnp.float32)]
    scratch = [
        pltpu.VMEM((CHUNK,), jnp.int32),
        pltpu.VMEM((CHUNK,), jnp.int32),
        pltpu.VMEM((CHUNK, DH), jnp.float32),
        pltpu.VMEM((CHUNK, DW), jnp.float32),
        pltpu.VMEM_SHARED((MPAD, DH), jnp.float32),
        pltpu.VMEM_SHARED((MPAD, DW), jnp.float32),
        pltpu.SemaphoreType.DMA,
    ]
    if with_deg:
        out_type.append(jax.ShapeDtypeStruct((NC, MPAD, DW), jnp.float32))

    def body(*refs):
        if with_deg:
            (x_hbm, src_hbm, dst_hbm, z64_hbm, z8_hbm, ones_hbm,
             out_hbm, deg_hbm,
             idx_v, dst_v, rows_v, ones_v, acc, dacc, sem) = refs
        else:
            (x_hbm, src_hbm, dst_hbm, z64_hbm, z8_hbm, ones_hbm,
             out_hbm,
             idx_v, dst_v, rows_v, ones_v, acc, dacc, sem) = refs
        c = lax.axis_index("c")
        s = lax.axis_index("s")
        w = s * NC + c
        zr = MPAD // NS
        pltpu.sync_copy(z64_hbm.at[pl.ds(s * zr, zr)], acc.at[pl.ds(s * zr, zr)])
        if with_deg:
            pltpu.sync_copy(z8_hbm.at[pl.ds(s * zr, zr)], dacc.at[pl.ds(s * zr, zr)])
            pltpu.sync_copy(ones_hbm, ones_v)
        plsc.subcore_barrier()

        nt = (NCHUNK + NW - 1) // NW

        def step(t, carry):
            g = w + NW * t

            @pl.when(g < NCHUNK)
            def _():
                base = g * CHUNK
                pltpu.sync_copy(src_hbm.at[pl.ds(base, CHUNK)], idx_v)
                pltpu.async_copy(x_hbm.at[idx_v], rows_v, sem).wait()
                pltpu.sync_copy(dst_hbm.at[pl.ds(base, CHUNK)], dst_v)
                pltpu.sync_copy(rows_v, acc.at[dst_v], add=True)
                if with_deg:
                    pltpu.sync_copy(ones_v, dacc.at[dst_v], add=True)

            return carry

        lax.fori_loop(0, nt, step, 0)
        plsc.subcore_barrier()
        pltpu.sync_copy(acc.at[pl.ds(s * zr, zr)], out_hbm.at[c, pl.ds(s * zr, zr)])
        if with_deg:
            pltpu.sync_copy(dacc.at[pl.ds(s * zr, zr)], deg_hbm.at[c, pl.ds(s * zr, zr)])

    return pl.kernel(body, out_type=tuple(out_type), mesh=_mesh(),
                     scratch_types=tuple(scratch),
                     compiler_params=pltpu.CompilerParams(use_tc_tiling_on_sc=False))


def _sc_user_pass(with_deg):
    out_type = [jax.ShapeDtypeStruct((NC, UPAD, DH), jnp.float32)]
    scratch = [
        pltpu.VMEM((CHUNK,), jnp.int32),
        pltpu.VMEM((CHUNK,), jnp.int32),
        pltpu.VMEM((CHUNK, DH), jnp.float32),
        pltpu.VMEM((CHUNK, DW), jnp.float32),
        pltpu.VMEM_SHARED((UPAD, DH), jnp.float32),
        pltpu.VMEM_SHARED((UPAD, DW), jnp.float32),
        pltpu.SemaphoreType.DMA,
    ]
    if with_deg:
        out_type.append(jax.ShapeDtypeStruct((NC, UPAD, DW), jnp.float32))

    def body(*refs):
        if with_deg:
            (x_hbm, src_hbm, dst_hbm, z64_hbm, z8_hbm, ones_hbm,
             out_hbm, deg_hbm,
             idx_v, dst_v, rows_v, ones_v, acc, dacc, sem) = refs
        else:
            (x_hbm, src_hbm, dst_hbm, z64_hbm, z8_hbm, ones_hbm,
             out_hbm,
             idx_v, dst_v, rows_v, ones_v, acc, dacc, sem) = refs
        c = lax.axis_index("c")
        s = lax.axis_index("s")
        zr = UPAD // NS
        pltpu.sync_copy(z64_hbm.at[pl.ds(s * zr, zr)], acc.at[pl.ds(s * zr, zr)])
        if with_deg:
            pltpu.sync_copy(z8_hbm.at[pl.ds(s * zr, zr)], dacc.at[pl.ds(s * zr, zr)])
            pltpu.sync_copy(ones_hbm, ones_v)
        plsc.subcore_barrier()

        lo = c * UHALF
        nt = (NCHUNK + NS - 1) // NS

        def step(t, carry):
            g = s + NS * t

            @pl.when(g < NCHUNK)
            def _():
                base = g * CHUNK
                pltpu.sync_copy(src_hbm.at[pl.ds(base, CHUNK)], idx_v)
                pltpu.async_copy(x_hbm.at[idx_v], rows_v, sem).wait()
                pltpu.sync_copy(dst_hbm.at[pl.ds(base, CHUNK)], dst_v)
                for i in range(CHUNK // 16):
                    v = dst_v[pl.ds(i * 16, 16)] - lo
                    ok = (v >= 0) & (v < UHALF)
                    dst_v[pl.ds(i * 16, 16)] = jnp.where(ok, v, UHALF)
                pltpu.sync_copy(rows_v, acc.at[dst_v], add=True)
                if with_deg:
                    pltpu.sync_copy(ones_v, dacc.at[dst_v], add=True)

            return carry

        lax.fori_loop(0, nt, step, 0)
        plsc.subcore_barrier()
        pltpu.sync_copy(acc.at[pl.ds(s * zr, zr)], out_hbm.at[c, pl.ds(s * zr, zr)])
        if with_deg:
            pltpu.sync_copy(dacc.at[pl.ds(s * zr, zr)], deg_hbm.at[c, pl.ds(s * zr, zr)])

    return pl.kernel(body, out_type=tuple(out_type), mesh=_mesh(),
                     scratch_types=tuple(scratch),
                     compiler_params=pltpu.CompilerParams(use_tc_tiling_on_sc=False))


_movie_pass_deg = _sc_movie_pass(True)
_movie_pass = _sc_movie_pass(False)
_user_pass_deg = _sc_user_pass(True)
_user_pass = _sc_user_pass(False)

_BLK = 400


def _tc_proj(x, w, b):
    n, d = x.shape

    def body(x_ref, w_ref, b_ref, o_ref):
        o_ref[...] = jnp.dot(x_ref[...], w_ref[...],
                             preferred_element_type=jnp.float32) + b_ref[...]

    return pl.pallas_call(
        body,
        grid=(n // _BLK,),
        in_specs=[pl.BlockSpec((_BLK, d), lambda i: (i, 0)),
                  pl.BlockSpec((d, DH), lambda i: (0, 0)),
                  pl.BlockSpec((1, DH), lambda i: (0, 0))],
        out_specs=pl.BlockSpec((_BLK, DH), lambda i: (i, 0)),
        out_shape=jax.ShapeDtypeStruct((n, DH), jnp.float32),
    )(x, w, b.reshape(1, DH))


def _tc_combine2(s0, s1, d0, d1, xd, wl, bl, wr):
    n = xd.shape[0]

    def body(s0_r, s1_r, d0_r, d1_r, xd_r, wl_r, bl_r, wr_r, o_ref):
        deg = d0_r[...][:, :1] + d1_r[...][:, :1]
        mean = (s0_r[...] + s1_r[...]) / jnp.maximum(deg, 1.0)
        acc = jnp.dot(mean, wl_r[...], preferred_element_type=jnp.float32)
        acc += jnp.dot(xd_r[...], wr_r[...], preferred_element_type=jnp.float32)
        o_ref[...] = jnp.maximum(acc + bl_r[...], 0.0)

    return pl.pallas_call(
        body,
        grid=(n // _BLK,),
        in_specs=[pl.BlockSpec((_BLK, DH), lambda i: (i, 0)),
                  pl.BlockSpec((_BLK, DH), lambda i: (i, 0)),
                  pl.BlockSpec((_BLK, DW), lambda i: (i, 0)),
                  pl.BlockSpec((_BLK, DW), lambda i: (i, 0)),
                  pl.BlockSpec((_BLK, DH), lambda i: (i, 0)),
                  pl.BlockSpec((DH, DH), lambda i: (0, 0)),
                  pl.BlockSpec((1, DH), lambda i: (0, 0)),
                  pl.BlockSpec((DH, DH), lambda i: (0, 0))],
        out_specs=pl.BlockSpec((_BLK, DH), lambda i: (i, 0)),
        out_shape=jax.ShapeDtypeStruct((n, DH), jnp.float32),
    )(s0, s1, d0, d1, xd, wl, bl.reshape(1, DH), wr)


def _tc_combine1(su, du, xd, wl, bl, wr):
    n = xd.shape[0]

    def body(su_r, du_r, xd_r, wl_r, bl_r, wr_r, o_ref):
        deg = du_r[...][:, :1]
        mean = su_r[...] / jnp.maximum(deg, 1.0)
        acc = jnp.dot(mean, wl_r[...], preferred_element_type=jnp.float32)
        acc += jnp.dot(xd_r[...], wr_r[...], preferred_element_type=jnp.float32)
        o_ref[...] = jnp.maximum(acc + bl_r[...], 0.0)

    return pl.pallas_call(
        body,
        grid=(n // _BLK,),
        in_specs=[pl.BlockSpec((_BLK, DH), lambda i: (i, 0)),
                  pl.BlockSpec((_BLK, DW), lambda i: (i, 0)),
                  pl.BlockSpec((_BLK, DH), lambda i: (i, 0)),
                  pl.BlockSpec((DH, DH), lambda i: (0, 0)),
                  pl.BlockSpec((1, DH), lambda i: (0, 0)),
                  pl.BlockSpec((DH, DH), lambda i: (0, 0))],
        out_specs=pl.BlockSpec((_BLK, DH), lambda i: (i, 0)),
        out_shape=jax.ShapeDtypeStruct((n, DH), jnp.float32),
    )(su, du, xd, wl, bl.reshape(1, DH), wr)


def kernel(x_user, x_movie, edge_src, edge_dst, Wu, bu, Wm, bm,
           l0_u2m_Wl, l0_u2m_bl, l0_u2m_Wr, l0_m2u_Wl, l0_m2u_bl, l0_m2u_Wr,
           l1_u2m_Wl, l1_u2m_bl, l1_u2m_Wr, l1_m2u_Wl, l1_m2u_bl, l1_m2u_Wr):
    z64 = jnp.zeros((UPAD, DH), jnp.float32)
    z8 = jnp.zeros((UPAD, DW), jnp.float32)
    ones = jnp.ones((CHUNK, DW), jnp.float32)

    xu = _tc_proj(x_user, Wu, bu)
    xm = _tc_proj(x_movie, Wm, bm)

    msum, mdeg = _movie_pass_deg(xu, edge_src, edge_dst, z64, z8, ones)
    usum, udeg = _user_pass_deg(xm, edge_dst, edge_src, z64, z8, ones)
    usum_full = jnp.concatenate([usum[0, :UHALF], usum[1, :UHALF]], axis=0)
    udeg_full = jnp.concatenate([udeg[0, :UHALF], udeg[1, :UHALF]], axis=0)
    new_m = _tc_combine2(msum[0, :NM], msum[1, :NM], mdeg[0, :NM], mdeg[1, :NM], xm,
                         l0_u2m_Wl, l0_u2m_bl, l0_u2m_Wr)
    new_u = _tc_combine1(usum_full, udeg_full, xu,
                         l0_m2u_Wl, l0_m2u_bl, l0_m2u_Wr)
    xu, xm = new_u, new_m

    (msum,) = _movie_pass(xu, edge_src, edge_dst, z64, z8, ones)
    (usum,) = _user_pass(xm, edge_dst, edge_src, z64, z8, ones)
    usum_full = jnp.concatenate([usum[0, :UHALF], usum[1, :UHALF]], axis=0)
    new_m = _tc_combine2(msum[0, :NM], msum[1, :NM], mdeg[0, :NM], mdeg[1, :NM], xm,
                         l1_u2m_Wl, l1_u2m_bl, l1_u2m_Wr)
    new_u = _tc_combine1(usum_full, udeg_full, xu,
                         l1_m2u_Wl, l1_m2u_bl, l1_m2u_Wr)
    return (new_u, new_m)

# --- scband reference (transcript-rebuilt; emitter-appended) ---
"""Pipeline reference for scband-hetero-gnnencoder-21431886807834 (READ-ONLY COPY).

The authoritative reference and input builder live on the scoring server;
editing this copy changes nothing except your own understanding.
"""

import jax, jax.numpy as jnp
import numpy as np

Nu, Nm, E, Du, Dm, H = 50000, 10000, 800000, 128, 128, 64

def setup_inputs(seed: int = 0):
    key = jax.random.key(seed)
    ks = jax.random.split(key, 24)
    inp = {}
    inp['x_user'] = jax.random.normal(ks[0], (Nu, Du), dtype=jnp.float32)
    inp['x_movie'] = jax.random.normal(ks[1], (Nm, Dm), dtype=jnp.float32)
    inp['edge_src'] = jax.random.randint(ks[2], (E,), 0, Nu, dtype=jnp.int32)
    inp['edge_dst'] = jax.random.randint(ks[3], (E,), 0, Nm, dtype=jnp.int32)
    inp['Wu'] = jax.random.normal(ks[4], (Du, H), dtype=jnp.float32) * 0.05
    inp['bu'] = jnp.zeros((H,), dtype=jnp.float32)
    inp['Wm'] = jax.random.normal(ks[5], (Dm, H), dtype=jnp.float32) * 0.05
    inp['bm'] = jnp.zeros((H,), dtype=jnp.float32)
    i = 6
    for l in range(2):
        for rel in ['u2m', 'm2u']:
            inp['l%d_%s_Wl' % (l, rel)] = jax.random.normal(ks[i], (H, H), dtype=jnp.float32) * 0.05; i += 1
            inp['l%d_%s_bl' % (l, rel)] = jnp.zeros((H,), dtype=jnp.float32)
            inp['l%d_%s_Wr' % (l, rel)] = jax.random.normal(ks[i], (H, H), dtype=jnp.float32) * 0.05; i += 1
    return inp

def _sage(x_src, x_dst, src_idx, dst_idx, Wl, bl, Wr, n_dst):
    # PyG SAGEConv: out = lin_l(mean_{j in N(i)} x_src[j]) + lin_r(x_dst[i])
    msg = jnp.take(x_src, src_idx, axis=0)
    agg = jax.ops.segment_sum(msg, dst_idx, num_segments=n_dst)
    deg = jax.ops.segment_sum(jnp.ones((dst_idx.shape[0],), dtype=x_src.dtype), dst_idx, num_segments=n_dst)
    mean = agg / jnp.clip(deg, 1.0)[:, None]
    return mean @ Wl + bl + x_dst @ Wr

def reference(x_user, x_movie, edge_src, edge_dst, Wu, bu, Wm, bm,
              l0_u2m_Wl, l0_u2m_bl, l0_u2m_Wr, l0_m2u_Wl, l0_m2u_bl, l0_m2u_Wr,
              l1_u2m_Wl, l1_u2m_bl, l1_u2m_Wr, l1_m2u_Wl, l1_m2u_bl, l1_m2u_Wr):
    xu = x_user @ Wu + bu
    xm = x_movie @ Wm + bm
    layers = [
        (l0_u2m_Wl, l0_u2m_bl, l0_u2m_Wr, l0_m2u_Wl, l0_m2u_bl, l0_m2u_Wr),
        (l1_u2m_Wl, l1_u2m_bl, l1_u2m_Wr, l1_m2u_Wl, l1_m2u_bl, l1_m2u_Wr),
    ]
    for (aWl, abl, aWr, bWl, bbl, bWr) in layers:
        # ('user','rates','movie'): user -> movie; ('movie','rated_by','user'): movie -> user
        new_m = _sage(xu, xm, edge_src, edge_dst, aWl, abl, aWr, Nm)
        new_u = _sage(xm, xu, edge_dst, edge_src, bWl, bbl, bWr, Nu)
        xu = jax.nn.relu(new_u)
        xm = jax.nn.relu(new_m)
    return (xu, xm)

if __name__ == "__main__":
    import jax
    _d = setup_inputs()
    print(jax.jit(kernel)(*tuple(_d.values())))

</pallas_src>

<mosaic_0001>
#map = affine_map<(d0, d1) -> (0, 0)>
#map1 = affine_map<(d0, d1) -> (0)>
#map2 = affine_map<(d0, d1) -> (0, 0, 0)>
module attributes {stable_mosaic.version = 14 : i64} {
  func.func @body(%arg0: i32, %arg1: i32, %arg2: memref<10000x64xf32, #tpu.memory_space<hbm>>, %arg3: memref<800000xi32, #tpu.memory_space<hbm>>, %arg4: memref<800000xi32, #tpu.memory_space<hbm>>, %arg5: memref<25088x64xf32, #tpu.memory_space<hbm>>, %arg6: memref<25088x8xf32, #tpu.memory_space<hbm>>, %arg7: memref<128x8xf32, #tpu.memory_space<hbm>>, %arg8: memref<2x25088x64xf32, #tpu.memory_space<hbm>>, %arg9: memref<2x25088x8xf32, #tpu.memory_space<hbm>>, %arg10: memref<128xi32, #tpu.memory_space<vmem>>, %arg11: memref<128xi32, #tpu.memory_space<vmem>>, %arg12: memref<128x64xf32, #tpu.memory_space<vmem>>, %arg13: memref<128x8xf32, #tpu.memory_space<vmem>>, %arg14: memref<25088x64xf32, #tpu.memory_space<vmem_shared>>, %arg15: memref<25088x8xf32, #tpu.memory_space<vmem_shared>>, %arg16: memref<!tpu.dma_semaphore, #tpu.memory_space<semaphore_mem>>) attributes {dimension_semantics = [#tpu.dimension_semantics<core_parallel>, #tpu.dimension_semantics<subcore_parallel>], iteration_bounds = array<i64: 2, 16>, scalar_prefetch = 0 : i64, scratch_operands = 7 : i64, tpu.core_type = #tpu.core_type<sc_vector_subcore>, window_params = [{transform_indices = #map}, {transform_indices = #map1}, {transform_indices = #map1}, {transform_indices = #map}, {transform_indices = #map}, {transform_indices = #map}, {transform_indices = #map2}, {transform_indices = #map2}]} {
    %mul3A = arith.constant 1568 : i32
    %mul3A_0 = arith.muli %arg1, %mul3A : i32
    %mul3A_1 = arith.constant 1568 : i32
    %mul3A_2 = arith.muli %arg1, %mul3A_1 : i32
    "tpu.region"() ({
      %run_scoped3A = tpu.sem_alloc : memref<!tpu.dma_semaphore, #tpu.memory_space<semaphore_mem>>
      %dma_start3A = arith.constant 0 : i32
      %dma_start3A_23 = tpu.memref_slice %arg14[%mul3A_2, %dma_start3A] : memref<25088x64xf32, #tpu.memory_space<vmem_shared>> -> memref<1568x64xf32, #tpu.memory_space<vmem_shared>>
      %dma_start3A_24 = arith.constant 0 : i32
      %dma_start3A_25 = tpu.memref_slice %arg5[%mul3A_0, %dma_start3A_24] : memref<25088x64xf32, #tpu.memory_space<hbm>> -> memref<1568x64xf32, #tpu.memory_space<hbm>>
      tpu.enqueue_dma source(%dma_start3A_25 : memref<1568x64xf32, #tpu.memory_space<hbm>>) target(%dma_start3A_23 : memref<1568x64xf32, #tpu.memory_space<vmem_shared>>) target_semaphore(%run_scoped3A : memref<!tpu.dma_semaphore, #tpu.memory_space<semaphore_mem>>)
      %dma_wait3A = arith.constant 0 : i32
      %dma_wait3A_26 = tpu.memref_slice %arg14[%mul3A_2, %dma_wait3A] : memref<25088x64xf32, #tpu.memory_space<vmem_shared>> -> memref<1568x64xf32, #tpu.memory_space<vmem_shared>>
      %dma_wait3A_27 = arith.constant 0 : i32
      %dma_wait3A_28 = tpu.memref_slice %arg5[%mul3A_0, %dma_wait3A_27] : memref<25088x64xf32, #tpu.memory_space<hbm>> -> memref<1568x64xf32, #tpu.memory_space<hbm>>
      tpu.wait_dma2 semaphore(%run_scoped3A : memref<!tpu.dma_semaphore, #tpu.memory_space<semaphore_mem>>) src(%dma_wait3A_28 : memref<1568x64xf32, #tpu.memory_space<hbm>>) dst(%dma_wait3A_26 : memref<1568x64xf32, #tpu.memory_space<vmem_shared>>)
      tpu.yield
    }) : () -> ()
    %mul3A_3 = arith.constant 1568 : i32
    %mul3A_4 = arith.muli %arg1, %mul3A_3 : i32
    %mul3A_5 = arith.constant 1568 : i32
    %mul3A_6 = arith.muli %arg1, %mul3A_5 : i32
    "tpu.region"() ({
      %run_scoped3A = tpu.sem_alloc : memref<!tpu.dma_semaphore, #tpu.memory_space<semaphore_mem>>
      %dma_start3A = arith.constant 0 : i32
      %dma_start3A_23 = tpu.memref_slice %arg15[%mul3A_6, %dma_start3A] : memref<25088x8xf32, #tpu.memory_space<vmem_shared>> -> memref<1568x8xf32, #tpu.memory_space<vmem_shared>>
      %dma_start3A_24 = arith.constant 0 : i32
      %dma_start3A_25 = tpu.memref_slice %arg6[%mul3A_4, %dma_start3A_24] : memref<25088x8xf32, #tpu.memory_space<hbm>> -> memref<1568x8xf32, #tpu.memory_space<hbm>>
      tpu.enqueue_dma source(%dma_start3A_25 : memref<1568x8xf32, #tpu.memory_space<hbm>>) target(%dma_start3A_23 : memref<1568x8xf32, #tpu.memory_space<vmem_shared>>) target_semaphore(%run_scoped3A : memref<!tpu.dma_semaphore, #tpu.memory_space<semaphore_mem>>)
      %dma_wait3A = arith.constant 0 : i32
      %dma_wait3A_26 = tpu.memref_slice %arg15[%mul3A_6, %dma_wait3A] : memref<25088x8xf32, #tpu.memory_space<vmem_shared>> -> memref<1568x8xf32, #tpu.memory_space<vmem_shared>>
      %dma_wait3A_27 = arith.constant 0 : i32
      %dma_wait3A_28 = tpu.memref_slice %arg6[%mul3A_4, %dma_wait3A_27] : memref<25088x8xf32, #tpu.memory_space<hbm>> -> memref<1568x8xf32, #tpu.memory_space<hbm>>
      tpu.wait_dma2 semaphore(%run_scoped3A : memref<!tpu.dma_semaphore, #tpu.memory_space<semaphore_mem>>) src(%dma_wait3A_28 : memref<1568x8xf32, #tpu.memory_space<hbm>>) dst(%dma_wait3A_26 : memref<1568x8xf32, #tpu.memory_space<vmem_shared>>)
      tpu.yield
    }) : () -> ()
    "tpu.region"() ({
      %run_scoped3A = tpu.sem_alloc : memref<!tpu.dma_semaphore, #tpu.memory_space<semaphore_mem>>
      tpu.enqueue_dma source(%arg7 : memref<128x8xf32, #tpu.memory_space<hbm>>) target(%arg13 : memref<128x8xf32, #tpu.memory_space<vmem>>) target_semaphore(%run_scoped3A : memref<!tpu.dma_semaphore, #tpu.memory_space<semaphore_mem>>)
      tpu.wait_dma2 semaphore(%run_scoped3A : memref<!tpu.dma_semaphore, #tpu.memory_space<semaphore_mem>>) src(%arg7 : memref<128x8xf32, #tpu.memory_space<hbm>>) dst(%arg13 : memref<128x8xf32, #tpu.memory_space<vmem>>)
      tpu.yield
    }) : () -> ()
    %barrier3A = arith.constant 0 : index
    tpu.barrier barrier_id(%barrier3A)
    %mul3A_7 = arith.constant 25000 : i32
    %mul3A_8 = arith.muli %arg0, %mul3A_7 : i32
    %scan3A = arith.constant 0 : i32
    %scan3A_9 = arith.constant 0 : i32
    %scan3A_10 = arith.constant 391 : i32
    %scan3A_11 = arith.addi %scan3A_9, %scan3A_10 : i32
    %scan3A_12 = arith.constant 1 : i32
    scf.for %scan3A_23 = %scan3A_9 to %scan3A_11 step %scan3A_12  : i32 {
      %mul3A_24 = arith.constant 16 : i32
      %mul3A_25 = arith.muli %mul3A_24, %scan3A_23 : i32
      %add3A = arith.addi %arg1, %mul3A_25 : i32
      %lt3A = arith.constant 6250 : i32
      %lt3A_26 = arith.cmpi slt, %add3A, %lt3A : i32
      %convert_element_type3A = arith.extui %lt3A_26 : i1 to i32
      %cond3A = arith.constant 0 : i32
      %cond3A_27 = arith.cmpi ne, %convert_element_type3A, %cond3A : i32
      scf.if %cond3A_27 {
        %mul3A_28 = arith.constant 128 : i32
        %mul3A_29 = arith.muli %add3A, %mul3A_28 : i32
        "tpu.region"() ({
          %run_scoped3A = tpu.sem_alloc : memref<!tpu.dma_semaphore, #tpu.memory_space<semaphore_mem>>
          %dma_start3A_178 = tpu.memref_slice %arg3[%mul3A_29] : memref<800000xi32, #tpu.memory_space<hbm>> -> memref<128xi32, #tpu.memory_space<hbm>>
          %dma_start3A_179 = tpu.memref_slice %arg3[%mul3A_29] : memref<800000xi32, #tpu.memory_space<hbm>> -> memref<128xi32, #tpu.memory_space<hbm>>
          tpu.enqueue_dma source(%dma_start3A_179 : memref<128xi32, #tpu.memory_space<hbm>>) target(%arg10 : memref<128xi32, #tpu.memory_space<vmem>>) target_semaphore(%run_scoped3A : memref<!tpu.dma_semaphore, #tpu.memory_space<semaphore_mem>>)
          %dma_wait3A_180 = tpu.memref_slice %arg3[%mul3A_29] : memref<800000xi32, #tpu.memory_space<hbm>> -> memref<128xi32, #tpu.memory_space<hbm>>
          %dma_wait3A_181 = tpu.memref_slice %arg3[%mul3A_29] : memref<800000xi32, #tpu.memory_space<hbm>> -> memref<128xi32, #tpu.memory_space<hbm>>
          tpu.wait_dma2 semaphore(%run_scoped3A : memref<!tpu.dma_semaphore, #tpu.memory_space<semaphore_mem>>) src(%dma_wait3A_181 : memref<128xi32, #tpu.memory_space<hbm>>) dst(%arg10 : memref<128xi32, #tpu.memory_space<vmem>>)
          tpu.yield
        }) : () -> ()
        %dma_start3A = arith.constant 0 : i32
        %dma_start3A_30 = arith.constant 0 : i32
        %dma_start3A_31 = tpu.memref_slice %arg2[%dma_start3A, %dma_start3A_30] : memref<10000x64xf32, #tpu.memory_space<hbm>> -> memref<10000x64xf32, #tpu.memory_space<hbm>>
        tpu.enqueue_indirect_dma source(%dma_start3A_31 : memref<10000x64xf32, #tpu.memory_space<hbm>>) target(%arg12 : memref<128x64xf32, #tpu.memory_space<vmem>>) offsets(%arg10 : memref<128xi32, #tpu.memory_space<vmem>>) semaphore(%arg16 : memref<!tpu.dma_semaphore, #tpu.memory_space<semaphore_mem>>)
        %dma_wait3A = arith.constant 0 : i32
        %dma_wait3A_32 = arith.constant 0 : i32
        %dma_wait3A_33 = tpu.memref_slice %arg2[%dma_wait3A, %dma_wait3A_32] : memref<10000x64xf32, #tpu.memory_space<hbm>> -> memref<10000x64xf32, #tpu.memory_space<hbm>>
        tpu.wait_indirect_dma semaphore(%arg16 : memref<!tpu.dma_semaphore, #tpu.memory_space<semaphore_mem>>) src(%dma_wait3A_33 : memref<10000x64xf32, #tpu.memory_space<hbm>>) dst(%arg12 : memref<128x64xf32, #tpu.memory_space<vmem>>)
        "tpu.region"() ({
          %run_scoped3A = tpu.sem_alloc : memref<!tpu.dma_semaphore, #tpu.memory_space<semaphore_mem>>
          %dma_start3A_178 = tpu.memref_slice %arg4[%mul3A_29] : memref<800000xi32, #tpu.memory_space<hbm>> -> memref<128xi32, #tpu.memory_space<hbm>>
          %dma_start3A_179 = tpu.memref_slice %arg4[%mul3A_29] : memref<800000xi32, #tpu.memory_space<hbm>> -> memref<128xi32, #tpu.memory_space<hbm>>
          tpu.enqueue_dma source(%dma_start3A_179 : memref<128xi32, #tpu.memory_space<hbm>>) target(%arg11 : memref<128xi32, #tpu.memory_space<vmem>>) target_semaphore(%run_scoped3A : memref<!tpu.dma_semaphore, #tpu.memory_space<semaphore_mem>>)
          %dma_wait3A_180 = tpu.memref_slice %arg4[%mul3A_29] : memref<800000xi32, #tpu.memory_space<hbm>> -> memref<128xi32, #tpu.memory_space<hbm>>
          %dma_wait3A_181 = tpu.memref_slice %arg4[%mul3A_29] : memref<800000xi32, #tpu.memory_space<hbm>> -> memref<128xi32, #tpu.memory_space<hbm>>
          tpu.wait_dma2 semaphore(%run_scoped3A : memref<!tpu.dma_semaphore, #tpu.memory_space<semaphore_mem>>) src(%dma_wait3A_181 : memref<128xi32, #tpu.memory_space<hbm>>) dst(%arg11 : memref<128xi32, #tpu.memory_space<vmem>>)
          tpu.yield
        }) : () -> ()
        %get3A = arith.constant 0 : index
        %get3A_34 = tpu.vector_load %arg11[%get3A] {strides = array<i32>} : memref<128xi32, #tpu.memory_space<vmem>>, vector<16xi32>,
        %get3A_35 = vector.shape_cast %get3A_34 : vector<16xi32> to vector<16xi32>
        %sub3A = vector.broadcast %mul3A_8 : i32 to vector<16xi32>
        %sub3A_36 = arith.subi %get3A_35, %sub3A : vector<16xi32>
        %ge3A = arith.constant 0 : i32
        %ge3A_37 = vector.broadcast %ge3A : i32 to vector<16xi32>
        %ge3A_38 = arith.cmpi sge, %sub3A_36, %ge3A_37 : vector<16xi32>
        %lt3A_39 = arith.constant 25000 : i32
        %lt3A_40 = vector.broadcast %lt3A_39 : i32 to vector<16xi32>
        %lt3A_41 = arith.cmpi slt, %sub3A_36, %lt3A_40 : vector<16xi32>
        %and3A = arith.andi %ge3A_38, %lt3A_41 : vector<16xi1>
        %jit3A = arith.constant 25000 : i32
        %broadcast_in_dim3A = vector.broadcast %jit3A : i32 to vector<16xi32>
        %select_n3A = arith.select %and3A, %sub3A_36, %broadcast_in_dim3A : vector<16xi1>, vector<16xi32>
        %swap3A = arith.constant 0 : index
        %swap3A_42 = tpu.vector_load %arg11[%swap3A] {strides = array<i32>} : memref<128xi32, #tpu.memory_space<vmem>>, vector<16xi32>,
        %swap3A_43 = vector.shape_cast %swap3A_42 : vector<16xi32> to vector<16xi32>
        %swap3A_44 = vector.shape_cast %select_n3A : vector<16xi32> to vector<16xi32>
        tpu.vector_store %arg11[%swap3A], %swap3A_44 {strides = array<i32>} : memref<128xi32, #tpu.memory_space<vmem>>, vector<16xi32>,
        %get3A_45 = arith.constant 16 : index
        %get3A_46 = tpu.vector_load %arg11[%get3A_45] {strides = array<i32>} : memref<128xi32, #tpu.memory_space<vmem>>, vector<16xi32>,
        %get3A_47 = vector.shape_cast %get3A_46 : vector<16xi32> to vector<16xi32>
        %sub3A_48 = vector.broadcast %mul3A_8 : i32 to vector<16xi32>
        %sub3A_49 = arith.subi %get3A_47, %sub3A_48 : vector<16xi32>
        %ge3A_50 = arith.constant 0 : i32
        %ge3A_51 = vector.broadcast %ge3A_50 : i32 to vector<16xi32>
        %ge3A_52 = arith.cmpi sge, %sub3A_49, %ge3A_51 : vector<16xi32>
        %lt3A_53 = arith.constant 25000 : i32
        %lt3A_54 = vector.broadcast %lt3A_53 : i32 to vector<16xi32>
        %lt3A_55 = arith.cmpi slt, %sub3A_49, %lt3A_54 : vector<16xi32>
        %and3A_56 = arith.andi %ge3A_52, %lt3A_55 : vector<16xi1>
        %jit3A_57 = arith.constant 25000 : i32
        %broadcast_in_dim3A_58 = vector.broadcast %jit3A_57 : i32 to vector<16xi32>
        %select_n3A_59 = arith.select %and3A_56, %sub3A_49, %broadcast_in_dim3A_58 : vector<16xi1>, vector<16xi32>
        %swap3A_60 = arith.constant 16 : index
        %swap3A_61 = tpu.vector_load %arg11[%swap3A_60] {strides = array<i32>} : memref<128xi32, #tpu.memory_space<vmem>>, vector<16xi32>,
        %swap3A_62 = vector.shape_cast %swap3A_61 : vector<16xi32> to vector<16xi32>
        %swap3A_63 = vector.shape_cast %select_n3A_59 : vector<16xi32> to vector<16xi32>
        tpu.vector_store %arg11[%swap3A_60], %swap3A_63 {strides = array<i32>} : memref<128xi32, #tpu.memory_space<vmem>>, vector<16xi32>,
        %get3A_64 = arith.constant 32 : index
        %get3A_65 = tpu.vector_load %arg11[%get3A_64] {strides = array<i32>} : memref<128xi32, #tpu.memory_space<vmem>>, vector<16xi32>,
        %get3A_66 = vector.shape_cast %get3A_65 : vector<16xi32> to vector<16xi32>
        %sub3A_67 = vector.broadcast %mul3A_8 : i32 to vector<16xi32>
        %sub3A_68 = arith.subi %get3A_66, %sub3A_67 : vector<16xi32>
        %ge3A_69 = arith.constant 0 : i32
        %ge3A_70 = vector.broadcast %ge3A_69 : i32 to vector<16xi32>
        %ge3A_71 = arith.cmpi sge, %sub3A_68, %ge3A_70 : vector<16xi32>
        %lt3A_72 = arith.constant 25000 : i32
        %lt3A_73 = vector.broadcast %lt3A_72 : i32 to vector<16xi32>
        %lt3A_74 = arith.cmpi slt, %sub3A_68, %lt3A_73 : vector<16xi32>
        %and3A_75 = arith.andi %ge3A_71, %lt3A_74 : vector<16xi1>
        %jit3A_76 = arith.constant 25000 : i32
        %broadcast_in_dim3A_77 = vector.broadcast %jit3A_76 : i32 to vector<16xi32>
        %select_n3A_78 = arith.select %and3A_75, %sub3A_68, %broadcast_in_dim3A_77 : vector<16xi1>, vector<16xi32>
        %swap3A_79 = arith.constant 32 : index
        %swap3A_80 = tpu.vector_load %arg11[%swap3A_79] {strides = array<i32>} : memref<128xi32, #tpu.memory_space<vmem>>, vector<16xi32>,
        %swap3A_81 = vector.shape_cast %swap3A_80 : vector<16xi32> to vector<16xi32>
        %swap3A_82 = vector.shape_cast %select_n3A_78 : vector<16xi32> to vector<16xi32>
        tpu.vector_store %arg11[%swap3A_79], %swap3A_82 {strides = array<i32>} : memref<128xi32, #tpu.memory_space<vmem>>, vector<16xi32>,
        %get3A_83 = arith.constant 48 : index
        %get3A_84 = tpu.vector_load %arg11[%get3A_83] {strides = array<i32>} : memref<128xi32, #tpu.memory_space<vmem>>, vector<16xi32>,
        %get3A_85 = vector.shape_cast %get3A_84 : vector<16xi32> to vector<16xi32>
        %sub3A_86 = vector.broadcast %mul3A_8 : i32 to vector<16xi32>
        %sub3A_87 = arith.subi %get3A_85, %sub3A_86 : vector<16xi32>
        %ge3A_88 = arith.constant 0 : i32
        %ge3A_89 = vector.broadcast %ge3A_88 : i32 to vector<16xi32>
        %ge3A_90 = arith.cmpi sge, %sub3A_87, %ge3A_89 : vector<16xi32>
        %lt3A_91 = arith.constant 25000 : i32
        %lt3A_92 = vector.broadcast %lt3A_91 : i32 to vector<16xi32>
        %lt3A_93 = arith.cmpi slt, %sub3A_87, %lt3A_92 : vector<16xi32>
        %and3A_94 = arith.andi %ge3A_90, %lt3A_93 : vector<16xi1>
        %jit3A_95 = arith.constant 25000 : i32
        %broadcast_in_dim3A_96 = vector.broadcast %jit3A_95 : i32 to vector<16xi32>
        %select_n3A_97 = arith.select %and3A_94, %sub3A_87, %broadcast_in_dim3A_96 : vector<16xi1>, vector<16xi32>
        %swap3A_98 = arith.constant 48 : index
        %swap3A_99 = tpu.vector_load %arg11[%swap3A_98] {strides = array<i32>} : memref<128xi32, #tpu.memory_space<vmem>>, vector<16xi32>,
        %swap3A_100 = vector.shape_cast %swap3A_99 : vector<16xi32> to vector<16xi32>
        %swap3A_101 = vector.shape_cast %select_n3A_97 : vector<16xi32> to vector<16xi32>
        tpu.vector_store %arg11[%swap3A_98], %swap3A_101 {strides = array<i32>} : memref<128xi32, #tpu.memory_space<vmem>>, vector<16xi32>,
        %get3A_102 = arith.constant 64 : index
        %get3A_103 = tpu.vector_load %arg11[%get3A_102] {strides = array<i32>} : memref<128xi32, #tpu.memory_space<vmem>>, vector<16xi32>,
        %get3A_104 = vector.shape_cast %get3A_103 : vector<16xi32> to vector<16xi32>
        %sub3A_105 = vector.broadcast %mul3A_8 : i32 to vector<16xi32>
        %sub3A_106 = arith.subi %get3A_104, %sub3A_105 : vector<16xi32>
        %ge3A_107 = arith.constant 0 : i32
        %ge3A_108 = vector.broadcast %ge3A_107 : i32 to vector<16xi32>
        %ge3A_109 = arith.cmpi sge, %sub3A_106, %ge3A_108 : vector<16xi32>
        %lt3A_110 = arith.constant 25000 : i32
        %lt3A_111 = vector.broadcast %lt3A_110 : i32 to vector<16xi32>
        %lt3A_112 = arith.cmpi slt, %sub3A_106, %lt3A_111 : vector<16xi32>
        %and3A_113 = arith.andi %ge3A_109, %lt3A_112 : vector<16xi1>
        %jit3A_114 = arith.constant 25000 : i32
        %broadcast_in_dim3A_115 = vector.broadcast %jit3A_114 : i32 to vector<16xi32>
        %select_n3A_116 = arith.select %and3A_113, %sub3A_106, %broadcast_in_dim3A_115 : vector<16xi1>, vector<16xi32>
        %swap3A_117 = arith.constant 64 : index
        %swap3A_118 = tpu.vector_load %arg11[%swap3A_117] {strides = array<i32>} : memref<128xi32, #tpu.memory_space<vmem>>, vector<16xi32>,
        %swap3A_119 = vector.shape_cast %swap3A_118 : vector<16xi32> to vector<16xi32>
        %swap3A_120 = vector.shape_cast %select_n3A_116 : vector<16xi32> to vector<16xi32>
        tpu.vector_store %arg11[%swap3A_117], %swap3A_120 {strides = array<i32>} : memref<128xi32, #tpu.memory_space<vmem>>, vector<16xi32>,
        %get3A_121 = arith.constant 80 : index
        %get3A_122 = tpu.vector_load %arg11[%get3A_121] {strides = array<i32>} : memref<128xi32, #tpu.memory_space<vmem>>, vector<16xi32>,
        %get3A_123 = vector.shape_cast %get3A_122 : vector<16xi32> to vector<16xi32>
        %sub3A_124 = vector.broadcast %mul3A_8 : i32 to vector<16xi32>
        %sub3A_125 = arith.subi %get3A_123, %sub3A_124 : vector<16xi32>
        %ge3A_126 = arith.constant 0 : i32
        %ge3A_127 = vector.broadcast %ge3A_126 : i32 to vector<16xi32>
        %ge3A_128 = arith.cmpi sge, %sub3A_125, %ge3A_127 : vector<16xi32>
        %lt3A_129 = arith.constant 25000 : i32
        %lt3A_130 = vector.broadcast %lt3A_129 : i32 to vector<16xi32>
        %lt3A_131 = arith.cmpi slt, %sub3A_125, %lt3A_130 : vector<16xi32>
        %and3A_132 = arith.andi %ge3A_128, %lt3A_131 : vector<16xi1>
        %jit3A_133 = arith.constant 25000 : i32
        %broadcast_in_dim3A_134 = vector.broadcast %jit3A_133 : i32 to vector<16xi32>
        %select_n3A_135 = arith.select %and3A_132, %sub3A_125, %broadcast_in_dim3A_134 : vector<16xi1>, vector<16xi32>
        %swap3A_136 = arith.constant 80 : index
        %swap3A_137 = tpu.vector_load %arg11[%swap3A_136] {strides = array<i32>} : memref<128xi32, #tpu.memory_space<vmem>>, vector<16xi32>,
        %swap3A_138 = vector.shape_cast %swap3A_137 : vector<16xi32> to vector<16xi32>
        %swap3A_139 = vector.shape_cast %select_n3A_135 : vector<16xi32> to vector<16xi32>
        tpu.vector_store %arg11[%swap3A_136], %swap3A_139 {strides = array<i32>} : memref<128xi32, #tpu.memory_space<vmem>>, vector<16xi32>,
        %get3A_140 = arith.constant 96 : index
        %get3A_141 = tpu.vector_load %arg11[%get3A_140] {strides = array<i32>} : memref<128xi32, #tpu.memory_space<vmem>>, vector<16xi32>,
        %get3A_142 = vector.shape_cast %get3A_141 : vector<16xi32> to vector<16xi32>
        %sub3A_143 = vector.broadcast %mul3A_8 : i32 to vector<16xi32>
        %sub3A_144 = arith.subi %get3A_142, %sub3A_143 : vector<16xi32>
        %ge3A_145 = arith.constant 0 : i32
        %ge3A_146 = vector.broadcast %ge3A_145 : i32 to vector<16xi32>
        %ge3A_147 = arith.cmpi sge, %sub3A_144, %ge3A_146 : vector<16xi32>
        %lt3A_148 = arith.constant 25000 : i32
        %lt3A_149 = vector.broadcast %lt3A_148 : i32 to vector<16xi32>
        %lt3A_150 = arith.cmpi slt, %sub3A_144, %lt3A_149 : vector<16xi32>
        %and3A_151 = arith.andi %ge3A_147, %lt3A_150 : vector<16xi1>
        %jit3A_152 = arith.constant 25000 : i32
        %broadcast_in_dim3A_153 = vector.broadcast %jit3A_152 : i32 to vector<16xi32>
        %select_n3A_154 = arith.select %and3A_151, %sub3A_144, %broadcast_in_dim3A_153 : vector<16xi1>, vector<16xi32>
        %swap3A_155 = arith.constant 96 : index
        %swap3A_156 = tpu.vector_load %arg11[%swap3A_155] {strides = array<i32>} : memref<128xi32, #tpu.memory_space<vmem>>, vector<16xi32>,
        %swap3A_157 = vector.shape_cast %swap3A_156 : vector<16xi32> to vector<16xi32>
        %swap3A_158 = vector.shape_cast %select_n3A_154 : vector<16xi32> to vector<16xi32>
        tpu.vector_store %arg11[%swap3A_155], %swap3A_158 {strides = array<i32>} : memref<128xi32, #tpu.memory_space<vmem>>, vector<16xi32>,
        %get3A_159 = arith.constant 112 : index
        %get3A_160 = tpu.vector_load %arg11[%get3A_159] {strides = array<i32>} : memref<128xi32, #tpu.memory_space<vmem>>, vector<16xi32>,
        %get3A_161 = vector.shape_cast %get3A_160 : vector<16xi32> to vector<16xi32>
        %sub3A_162 = vector.broadcast %mul3A_8 : i32 to vector<16xi32>
        %sub3A_163 = arith.subi %get3A_161, %sub3A_162 : vector<16xi32>
        %ge3A_164 = arith.constant 0 : i32
        %ge3A_165 = vector.broadcast %ge3A_164 : i32 to vector<16xi32>
        %ge3A_166 = arith.cmpi sge, %sub3A_163, %ge3A_165 : vector<16xi32>
        %lt3A_167 = arith.constant 25000 : i32
        %lt3A_168 = vector.broadcast %lt3A_167 : i32 to vector<16xi32>
        %lt3A_169 = arith.cmpi slt, %sub3A_163, %lt3A_168 : vector<16xi32>
        %and3A_170 = arith.andi %ge3A_166, %lt3A_169 : vector<16xi1>
        %jit3A_171 = arith.constant 25000 : i32
        %broadcast_in_dim3A_172 = vector.broadcast %jit3A_171 : i32 to vector<16xi32>
        %select_n3A_173 = arith.select %and3A_170, %sub3A_163, %broadcast_in_dim3A_172 : vector<16xi1>, vector<16xi32>
        %swap3A_174 = arith.constant 112 : index
        %swap3A_175 = tpu.vector_load %arg11[%swap3A_174] {strides = array<i32>} : memref<128xi32, #tpu.memory_space<vmem>>, vector<16xi32>,
        %swap3A_176 = vector.shape_cast %swap3A_175 : vector<16xi32> to vector<16xi32>
        %swap3A_177 = vector.shape_cast %select_n3A_173 : vector<16xi32> to vector<16xi32>
        tpu.vector_store %arg11[%swap3A_174], %swap3A_177 {strides = array<i32>} : memref<128xi32, #tpu.memory_space<vmem>>, vector<16xi32>,
        "tpu.region"() ({
          %run_scoped3A = tpu.sem_alloc : memref<!tpu.dma_semaphore, #tpu.memory_space<semaphore_mem>>
          %dma_start3A_178 = arith.constant 0 : i32
          %dma_start3A_179 = arith.constant 0 : i32
          %dma_start3A_180 = tpu.memref_slice %arg14[%dma_start3A_178, %dma_start3A_179] : memref<25088x64xf32, #tpu.memory_space<vmem_shared>> -> memref<25088x64xf32, #tpu.memory_space<vmem_shared>>
          tpu.enqueue_indirect_dma source(%arg12 : memref<128x64xf32, #tpu.memory_space<vmem>>) target(%dma_start3A_180 : memref<25088x64xf32, #tpu.memory_space<vmem_shared>>) offsets(%arg11 : memref<128xi32, #tpu.memory_space<vmem>>) semaphore(%run_scoped3A : memref<!tpu.dma_semaphore, #tpu.memory_space<semaphore_mem>>) {add = true}
          %dma_wait3A_181 = arith.constant 0 : i32
          %dma_wait3A_182 = arith.constant 0 : i32
          %dma_wait3A_183 = tpu.memref_slice %arg14[%dma_wait3A_181, %dma_wait3A_182] : memref<25088x64xf32, #tpu.memory_space<vmem_shared>> -> memref<25088x64xf32, #tpu.memory_space<vmem_shared>>
          tpu.wait_indirect_dma semaphore(%run_scoped3A : memref<!tpu.dma_semaphore, #tpu.memory_space<semaphore_mem>>) src(%arg12 : memref<128x64xf32, #tpu.memory_space<vmem>>) dst(%dma_wait3A_183 : memref<25088x64xf32, #tpu.memory_space<vmem_shared>>)
          tpu.yield
        }) : () -> ()
        "tpu.region"() ({
          %run_scoped3A = tpu.sem_alloc : memref<!tpu.dma_semaphore, #tpu.memory_space<semaphore_mem>>
          %dma_start3A_178 = arith.constant 0 : i32
          %dma_start3A_179 = arith.constant 0 : i32
          %dma_start3A_180 = tpu.memref_slice %arg15[%dma_start3A_178, %dma_start3A_179] : memref<25088x8xf32, #tpu.memory_space<vmem_shared>> -> memref<25088x8xf32, #tpu.memory_space<vmem_shared>>
          tpu.enqueue_indirect_dma source(%arg13 : memref<128x8xf32, #tpu.memory_space<vmem>>) target(%dma_start3A_180 : memref<25088x8xf32, #tpu.memory_space<vmem_shared>>) offsets(%arg11 : memref<128xi32, #tpu.memory_space<vmem>>) semaphore(%run_scoped3A : memref<!tpu.dma_semaphore, #tpu.memory_space<semaphore_mem>>) {add = true}
          %dma_wait3A_181 = arith.constant 0 : i32
          %dma_wait3A_182 = arith.constant 0 : i32
          %dma_wait3A_183 = tpu.memref_slice %arg15[%dma_wait3A_181, %dma_wait3A_182] : memref<25088x8xf32, #tpu.memory_space<vmem_shared>> -> memref<25088x8xf32, #tpu.memory_space<vmem_shared>>
          tpu.wait_indirect_dma semaphore(%run_scoped3A : memref<!tpu.dma_semaphore, #tpu.memory_space<semaphore_mem>>) src(%arg13 : memref<128x8xf32, #tpu.memory_space<vmem>>) dst(%dma_wait3A_183 : memref<25088x8xf32, #tpu.memory_space<vmem_shared>>)
          tpu.yield
        }) : () -> ()
      } else {
      }
    }
    %scan3A_13 = arith.constant 391 : i32
    %barrier3A_14 = arith.constant 0 : index
    tpu.barrier barrier_id(%barrier3A_14)
    %mul3A_15 = arith.constant 1568 : i32
    %mul3A_16 = arith.muli %arg1, %mul3A_15 : i32
    %mul3A_17 = arith.constant 1568 : i32
    %mul3A_18 = arith.muli %arg1, %mul3A_17 : i32
    "tpu.region"() ({
      %run_scoped3A = tpu.sem_alloc : memref<!tpu.dma_semaphore, #tpu.memory_space<semaphore_mem>>
      %dma_start3A = arith.constant 0 : i32
      %dma_start3A_23 = tpu.memref_slice %arg8[%arg0, %mul3A_18, %dma_start3A] : memref<2x25088x64xf32, #tpu.memory_space<hbm>> -> memref<1x1568x64xf32, #tpu.memory_space<hbm>>
      %dma_start3A_24 = tpu.memref_squeeze %dma_start3A_23 : memref<1x1568x64xf32, #tpu.memory_space<hbm>> -> memref<1568x64xf32, #tpu.memory_space<hbm>>
      %dma_start3A_25 = arith.constant 0 : i32
      %dma_start3A_26 = tpu.memref_slice %arg14[%mul3A_16, %dma_start3A_25] : memref<25088x64xf32, #tpu.memory_space<vmem_shared>> -> memref<1568x64xf32, #tpu.memory_space<vmem_shared>>
      tpu.enqueue_dma source(%dma_start3A_26 : memref<1568x64xf32, #tpu.memory_space<vmem_shared>>) target(%dma_start3A_24 : memref<1568x64xf32, #tpu.memory_space<hbm>>) target_semaphore(%run_scoped3A : memref<!tpu.dma_semaphore, #tpu.memory_space<semaphore_mem>>)
      %dma_wait3A = arith.constant 0 : i32
      %dma_wait3A_27 = tpu.memref_slice %arg8[%arg0, %mul3A_18, %dma_wait3A] : memref<2x25088x64xf32, #tpu.memory_space<hbm>> -> memref<1x1568x64xf32, #tpu.memory_space<hbm>>
      %dma_wait3A_28 = tpu.memref_squeeze %dma_wait3A_27 : memref<1x1568x64xf32, #tpu.memory_space<hbm>> -> memref<1568x64xf32, #tpu.memory_space<hbm>>
      %dma_wait3A_29 = arith.constant 0 : i32
      %dma_wait3A_30 = tpu.memref_slice %arg14[%mul3A_16, %dma_wait3A_29] : memref<25088x64xf32, #tpu.memory_space<vmem_shared>> -> memref<1568x64xf32, #tpu.memory_space<vmem_shared>>
      tpu.wait_dma2 semaphore(%run_scoped3A : memref<!tpu.dma_semaphore, #tpu.memory_space<semaphore_mem>>) src(%dma_wait3A_30 : memref<1568x64xf32, #tpu.memory_space<vmem_shared>>) dst(%dma_wait3A_28 : memref<1568x64xf32, #tpu.memory_space<hbm>>)
      tpu.yield
    }) : () -> ()
    %mul3A_19 = arith.constant 1568 : i32
    %mul3A_20 = arith.muli %arg1, %mul3A_19 : i32
    %mul3A_21 = arith.constant 1568 : i32
    %mul3A_22 = arith.muli %arg1, %mul3A_21 : i32
    "tpu.region"() ({
      %run_scoped3A = tpu.sem_alloc : memref<!tpu.dma_semaphore, #tpu.memory_space<semaphore_mem>>
      %dma_start3A = arith.constant 0 : i32
      %dma_start3A_23 = tpu.memref_slice %arg9[%arg0, %mul3A_22, %dma_start3A] : memref<2x25088x8xf32, #tpu.memory_space<hbm>> -> memref<1x1568x8xf32, #tpu.memory_space<hbm>>
      %dma_start3A_24 = tpu.memref_squeeze %dma_start3A_23 : memref<1x1568x8xf32, #tpu.memory_space<hbm>> -> memref<1568x8xf32, #tpu.memory_space<hbm>>
      %dma_start3A_25 = arith.constant 0 : i32
      %dma_start3A_26 = tpu.memref_slice %arg15[%mul3A_20, %dma_start3A_25] : memref<25088x8xf32, #tpu.memory_space<vmem_shared>> -> memref<1568x8xf32, #tpu.memory_space<vmem_shared>>
      tpu.enqueue_dma source(%dma_start3A_26 : memref<1568x8xf32, #tpu.memory_space<vmem_shared>>) target(%dma_start3A_24 : memref<1568x8xf32, #tpu.memory_space<hbm>>) target_semaphore(%run_scoped3A : memref<!tpu.dma_semaphore, #tpu.memory_space<semaphore_mem>>)
      %dma_wait3A = arith.constant 0 : i32
      %dma_wait3A_27 = tpu.memref_slice %arg9[%arg0, %mul3A_22, %dma_wait3A] : memref<2x25088x8xf32, #tpu.memory_space<hbm>> -> memref<1x1568x8xf32, #tpu.memory_space<hbm>>
      %dma_wait3A_28 = tpu.memref_squeeze %dma_wait3A_27 : memref<1x1568x8xf32, #tpu.memory_space<hbm>> -> memref<1568x8xf32, #tpu.memory_space<hbm>>
      %dma_wait3A_29 = arith.constant 0 : i32
      %dma_wait3A_30 = tpu.memref_slice %arg15[%mul3A_20, %dma_wait3A_29] : memref<25088x8xf32, #tpu.memory_space<vmem_shared>> -> memref<1568x8xf32, #tpu.memory_space<vmem_shared>>
      tpu.wait_dma2 semaphore(%run_scoped3A : memref<!tpu.dma_semaphore, #tpu.memory_space<semaphore_mem>>) src(%dma_wait3A_30 : memref<1568x8xf32, #tpu.memory_space<vmem_shared>>) dst(%dma_wait3A_28 : memref<1568x8xf32, #tpu.memory_space<hbm>>)
      tpu.yield
    }) : () -> ()
    return
  }
}

#map = affine_map<(d0, d1) -> (0, 0)>
#map1 = affine_map<(d0, d1) -> (0)>
#map2 = affine_map<(d0, d1) -> (0, 0, 0)>
module attributes {stable_mosaic.version = 14 : i64} {
  func.func @body(%arg0: i32, %arg1: i32, %arg2: memref<10000x64xf32, #tpu.memory_space<hbm>>, %arg3: memref<800000xi32, #tpu.memory_space<hbm>>, %arg4: memref<800000xi32, #tpu.memory_space<hbm>>, %arg5: memref<25088x64xf32, #tpu.memory_space<hbm>>, %arg6: memref<25088x8xf32, #tpu.memory_space<hbm>>, %arg7: memref<128x8xf32, #tpu.memory_space<hbm>>, %arg8: memref<2x25088x64xf32, #tpu.memory_space<hbm>>, %arg9: memref<128xi32, #tpu.memory_space<vmem>>, %arg10: memref<128xi32, #tpu.memory_space<vmem>>, %arg11: memref<128x64xf32, #tpu.memory_space<vmem>>, %arg12: memref<128x8xf32, #tpu.memory_space<vmem>>, %arg13: memref<25088x64xf32, #tpu.memory_space<vmem_shared>>, %arg14: memref<25088x8xf32, #tpu.memory_space<vmem_shared>>, %arg15: memref<!tpu.dma_semaphore, #tpu.memory_space<semaphore_mem>>) attributes {dimension_semantics = [#tpu.dimension_semantics<core_parallel>, #tpu.dimension_semantics<subcore_parallel>], iteration_bounds = array<i64: 2, 16>, scalar_prefetch = 0 : i64, scratch_operands = 7 : i64, tpu.core_type = #tpu.core_type<sc_vector_subcore>, window_params = [{transform_indices = #map}, {transform_indices = #map1}, {transform_indices = #map1}, {transform_indices = #map}, {transform_indices = #map}, {transform_indices = #map}, {transform_indices = #map2}]} {
    %mul3A = arith.constant 1568 : i32
    %mul3A_0 = arith.muli %arg1, %mul3A : i32
    %mul3A_1 = arith.constant 1568 : i32
    %mul3A_2 = arith.muli %arg1, %mul3A_1 : i32
    "tpu.region"() ({
      %run_scoped3A = tpu.sem_alloc : memref<!tpu.dma_semaphore, #tpu.memory_space<semaphore_mem>>
      %dma_start3A = arith.constant 0 : i32
      %dma_start3A_15 = tpu.memref_slice %arg13[%mul3A_2, %dma_start3A] : memref<25088x64xf32, #tpu.memory_space<vmem_shared>> -> memref<1568x64xf32, #tpu.memory_space<vmem_shared>>
      %dma_start3A_16 = arith.constant 0 : i32
      %dma_start3A_17 = tpu.memref_slice %arg5[%mul3A_0, %dma_start3A_16] : memref<25088x64xf32, #tpu.memory_space<hbm>> -> memref<1568x64xf32, #tpu.memory_space<hbm>>
      tpu.enqueue_dma source(%dma_start3A_17 : memref<1568x64xf32, #tpu.memory_space<hbm>>) target(%dma_start3A_15 : memref<1568x64xf32, #tpu.memory_space<vmem_shared>>) target_semaphore(%run_scoped3A : memref<!tpu.dma_semaphore, #tpu.memory_space<semaphore_mem>>)
      %dma_wait3A = arith.constant 0 : i32
      %dma_wait3A_18 = tpu.memref_slice %arg13[%mul3A_2, %dma_wait3A] : memref<25088x64xf32, #tpu.memory_space<vmem_shared>> -> memref<1568x64xf32, #tpu.memory_space<vmem_shared>>
      %dma_wait3A_19 = arith.constant 0 : i32
      %dma_wait3A_20 = tpu.memref_slice %arg5[%mul3A_0, %dma_wait3A_19] : memref<25088x64xf32, #tpu.memory_space<hbm>> -> memref<1568x64xf32, #tpu.memory_space<hbm>>
      tpu.wait_dma2 semaphore(%run_scoped3A : memref<!tpu.dma_semaphore, #tpu.memory_space<semaphore_mem>>) src(%dma_wait3A_20 : memref<1568x64xf32, #tpu.memory_space<hbm>>) dst(%dma_wait3A_18 : memref<1568x64xf32, #tpu.memory_space<vmem_shared>>)
      tpu.yield
    }) : () -> ()
    %barrier3A = arith.constant 0 : index
    tpu.barrier barrier_id(%barrier3A)
    %mul3A_3 = arith.constant 25000 : i32
    %mul3A_4 = arith.muli %arg0, %mul3A_3 : i32
    %scan3A = arith.constant 0 : i32
    %scan3A_5 = arith.constant 0 : i32
    %scan3A_6 = arith.constant 391 : i32
    %scan3A_7 = arith.addi %scan3A_5, %scan3A_6 : i32
    %scan3A_8 = arith.constant 1 : i32
    scf.for %scan3A_15 = %scan3A_5 to %scan3A_7 step %scan3A_8  : i32 {
      %mul3A_16 = arith.constant 16 : i32
      %mul3A_17 = arith.muli %mul3A_16, %scan3A_15 : i32
      %add3A = arith.addi %arg1, %mul3A_17 : i32
      %lt3A = arith.constant 6250 : i32
      %lt3A_18 = arith.cmpi slt, %add3A, %lt3A : i32
      %convert_element_type3A = arith.extui %lt3A_18 : i1 to i32
      %cond3A = arith.constant 0 : i32
      %cond3A_19 = arith.cmpi ne, %convert_element_type3A, %cond3A : i32
      scf.if %cond3A_19 {
        %mul3A_20 = arith.constant 128 : i32
        %mul3A_21 = arith.muli %add3A, %mul3A_20 : i32
        "tpu.region"() ({
          %run_scoped3A = tpu.sem_alloc : memref<!tpu.dma_semaphore, #tpu.memory_space<semaphore_mem>>
          %dma_start3A_170 = tpu.memref_slice %arg3[%mul3A_21] : memref<800000xi32, #tpu.memory_space<hbm>> -> memref<128xi32, #tpu.memory_space<hbm>>
          %dma_start3A_171 = tpu.memref_slice %arg3[%mul3A_21] : memref<800000xi32, #tpu.memory_space<hbm>> -> memref<128xi32, #tpu.memory_space<hbm>>
          tpu.enqueue_dma source(%dma_start3A_171 : memref<128xi32, #tpu.memory_space<hbm>>) target(%arg9 : memref<128xi32, #tpu.memory_space<vmem>>) target_semaphore(%run_scoped3A : memref<!tpu.dma_semaphore, #tpu.memory_space<semaphore_mem>>)
          %dma_wait3A_172 = tpu.memref_slice %arg3[%mul3A_21] : memref<800000xi32, #tpu.memory_space<hbm>> -> memref<128xi32, #tpu.memory_space<hbm>>
          %dma_wait3A_173 = tpu.memref_slice %arg3[%mul3A_21] : memref<800000xi32, #tpu.memory_space<hbm>> -> memref<128xi32, #tpu.memory_space<hbm>>
          tpu.wait_dma2 semaphore(%run_scoped3A : memref<!tpu.dma_semaphore, #tpu.memory_space<semaphore_mem>>) src(%dma_wait3A_173 : memref<128xi32, #tpu.memory_space<hbm>>) dst(%arg9 : memref<128xi32, #tpu.memory_space<vmem>>)
          tpu.yield
        }) : () -> ()
        %dma_start3A = arith.constant 0 : i32
        %dma_start3A_22 = arith.constant 0 : i32
        %dma_start3A_23 = tpu.memref_slice %arg2[%dma_start3A, %dma_start3A_22] : memref<10000x64xf32, #tpu.memory_space<hbm>> -> memref<10000x64xf32, #tpu.memory_space<hbm>>
        tpu.enqueue_indirect_dma source(%dma_start3A_23 : memref<10000x64xf32, #tpu.memory_space<hbm>>) target(%arg11 : memref<128x64xf32, #tpu.memory_space<vmem>>) offsets(%arg9 : memref<128xi32, #tpu.memory_space<vmem>>) semaphore(%arg15 : memref<!tpu.dma_semaphore, #tpu.memory_space<semaphore_mem>>)
        %dma_wait3A = arith.constant 0 : i32
        %dma_wait3A_24 = arith.constant 0 : i32
        %dma_wait3A_25 = tpu.memref_slice %arg2[%dma_wait3A, %dma_wait3A_24] : memref<10000x64xf32, #tpu.memory_space<hbm>> -> memref<10000x64xf32, #tpu.memory_space<hbm>>
        tpu.wait_indirect_dma semaphore(%arg15 : memref<!tpu.dma_semaphore, #tpu.memory_space<semaphore_mem>>) src(%dma_wait3A_25 : memref<10000x64xf32, #tpu.memory_space<hbm>>) dst(%arg11 : memref<128x64xf32, #tpu.memory_space<vmem>>)
        "tpu.region"() ({
          %run_scoped3A = tpu.sem_alloc : memref<!tpu.dma_semaphore, #tpu.memory_space<semaphore_mem>>
          %dma_start3A_170 = tpu.memref_slice %arg4[%mul3A_21] : memref<800000xi32, #tpu.memory_space<hbm>> -> memref<128xi32, #tpu.memory_space<hbm>>
          %dma_start3A_171 = tpu.memref_slice %arg4[%mul3A_21] : memref<800000xi32, #tpu.memory_space<hbm>> -> memref<128xi32, #tpu.memory_space<hbm>>
          tpu.enqueue_dma source(%dma_start3A_171 : memref<128xi32, #tpu.memory_space<hbm>>) target(%arg10 : memref<128xi32, #tpu.memory_space<vmem>>) target_semaphore(%run_scoped3A : memref<!tpu.dma_semaphore, #tpu.memory_space<semaphore_mem>>)
          %dma_wait3A_172 = tpu.memref_slice %arg4[%mul3A_21] : memref<800000xi32, #tpu.memory_space<hbm>> -> memref<128xi32, #tpu.memory_space<hbm>>
          %dma_wait3A_173 = tpu.memref_slice %arg4[%mul3A_21] : memref<800000xi32, #tpu.memory_space<hbm>> -> memref<128xi32, #tpu.memory_space<hbm>>
          tpu.wait_dma2 semaphore(%run_scoped3A : memref<!tpu.dma_semaphore, #tpu.memory_space<semaphore_mem>>) src(%dma_wait3A_173 : memref<128xi32, #tpu.memory_space<hbm>>) dst(%arg10 : memref<128xi32, #tpu.memory_space<vmem>>)
          tpu.yield
        }) : () -> ()
        %get3A = arith.constant 0 : index
        %get3A_26 = tpu.vector_load %arg10[%get3A] {strides = array<i32>} : memref<128xi32, #tpu.memory_space<vmem>>, vector<16xi32>,
        %get3A_27 = vector.shape_cast %get3A_26 : vector<16xi32> to vector<16xi32>
        %sub3A = vector.broadcast %mul3A_4 : i32 to vector<16xi32>
        %sub3A_28 = arith.subi %get3A_27, %sub3A : vector<16xi32>
        %ge3A = arith.constant 0 : i32
        %ge3A_29 = vector.broadcast %ge3A : i32 to vector<16xi32>
        %ge3A_30 = arith.cmpi sge, %sub3A_28, %ge3A_29 : vector<16xi32>
        %lt3A_31 = arith.constant 25000 : i32
        %lt3A_32 = vector.broadcast %lt3A_31 : i32 to vector<16xi32>
        %lt3A_33 = arith.cmpi slt, %sub3A_28, %lt3A_32 : vector<16xi32>
        %and3A = arith.andi %ge3A_30, %lt3A_33 : vector<16xi1>
        %jit3A = arith.constant 25000 : i32
        %broadcast_in_dim3A = vector.broadcast %jit3A : i32 to vector<16xi32>
        %select_n3A = arith.select %and3A, %sub3A_28, %broadcast_in_dim3A : vector<16xi1>, vector<16xi32>
        %swap3A = arith.constant 0 : index
        %swap3A_34 = tpu.vector_load %arg10[%swap3A] {strides = array<i32>} : memref<128xi32, #tpu.memory_space<vmem>>, vector<16xi32>,
        %swap3A_35 = vector.shape_cast %swap3A_34 : vector<16xi32> to vector<16xi32>
        %swap3A_36 = vector.shape_cast %select_n3A : vector<16xi32> to vector<16xi32>
        tpu.vector_store %arg10[%swap3A], %swap3A_36 {strides = array<i32>} : memref<128xi32, #tpu.memory_space<vmem>>, vector<16xi32>,
        %get3A_37 = arith.constant 16 : index
        %get3A_38 = tpu.vector_load %arg10[%get3A_37] {strides = array<i32>} : memref<128xi32, #tpu.memory_space<vmem>>, vector<16xi32>,
        %get3A_39 = vector.shape_cast %get3A_38 : vector<16xi32> to vector<16xi32>
        %sub3A_40 = vector.broadcast %mul3A_4 : i32 to vector<16xi32>
        %sub3A_41 = arith.subi %get3A_39, %sub3A_40 : vector<16xi32>
        %ge3A_42 = arith.constant 0 : i32
        %ge3A_43 = vector.broadcast %ge3A_42 : i32 to vector<16xi32>
        %ge3A_44 = arith.cmpi sge, %sub3A_41, %ge3A_43 : vector<16xi32>
        %lt3A_45 = arith.constant 25000 : i32
        %lt3A_46 = vector.broadcast %lt3A_45 : i32 to vector<16xi32>
        %lt3A_47 = arith.cmpi slt, %sub3A_41, %lt3A_46 : vector<16xi32>
        %and3A_48 = arith.andi %ge3A_44, %lt3A_47 : vector<16xi1>
        %jit3A_49 = arith.constant 25000 : i32
        %broadcast_in_dim3A_50 = vector.broadcast %jit3A_49 : i32 to vector<16xi32>
        %select_n3A_51 = arith.select %and3A_48, %sub3A_41, %broadcast_in_dim3A_50 : vector<16xi1>, vector<16xi32>
        %swap3A_52 = arith.constant 16 : index
        %swap3A_53 = tpu.vector_load %arg10[%swap3A_52] {strides = array<i32>} : memref<128xi32, #tpu.memory_space<vmem>>, vector<16xi32>,
        %swap3A_54 = vector.shape_cast %swap3A_53 : vector<16xi32> to vector<16xi32>
        %swap3A_55 = vector.shape_cast %select_n3A_51 : vector<16xi32> to vector<16xi32>
        tpu.vector_store %arg10[%swap3A_52], %swap3A_55 {strides = array<i32>} : memref<128xi32, #tpu.memory_space<vmem>>, vector<16xi32>,
        %get3A_56 = arith.constant 32 : index
        %get3A_57 = tpu.vector_load %arg10[%get3A_56] {strides = array<i32>} : memref<128xi32, #tpu.memory_space<vmem>>, vector<16xi32>,
        %get3A_58 = vector.shape_cast %get3A_57 : vector<16xi32> to vector<16xi32>
        %sub3A_59 = vector.broadcast %mul3A_4 : i32 to vector<16xi32>
        %sub3A_60 = arith.subi %get3A_58, %sub3A_59 : vector<16xi32>
        %ge3A_61 = arith.constant 0 : i32
        %ge3A_62 = vector.broadcast %ge3A_61 : i32 to vector<16xi32>
        %ge3A_63 = arith.cmpi sge, %sub3A_60, %ge3A_62 : vector<16xi32>
        %lt3A_64 = arith.constant 25000 : i32
        %lt3A_65 = vector.broadcast %lt3A_64 : i32 to vector<16xi32>
        %lt3A_66 = arith.cmpi slt, %sub3A_60, %lt3A_65 : vector<16xi32>
        %and3A_67 = arith.andi %ge3A_63, %lt3A_66 : vector<16xi1>
        %jit3A_68 = arith.constant 25000 : i32
        %broadcast_in_dim3A_69 = vector.broadcast %jit3A_68 : i32 to vector<16xi32>
        %select_n3A_70 = arith.select %and3A_67, %sub3A_60, %broadcast_in_dim3A_69 : vector<16xi1>, vector<16xi32>
        %swap3A_71 = arith.constant 32 : index
        %swap3A_72 = tpu.vector_load %arg10[%swap3A_71] {strides = array<i32>} : memref<128xi32, #tpu.memory_space<vmem>>, vector<16xi32>,
        %swap3A_73 = vector.shape_cast %swap3A_72 : vector<16xi32> to vector<16xi32>
        %swap3A_74 = vector.shape_cast %select_n3A_70 : vector<16xi32> to vector<16xi32>
        tpu.vector_store %arg10[%swap3A_71], %swap3A_74 {strides = array<i32>} : memref<128xi32, #tpu.memory_space<vmem>>, vector<16xi32>,
        %get3A_75 = arith.constant 48 : index
        %get3A_76 = tpu.vector_load %arg10[%get3A_75] {strides = array<i32>} : memref<128xi32, #tpu.memory_space<vmem>>, vector<16xi32>,
        %get3A_77 = vector.shape_cast %get3A_76 : vector<16xi32> to vector<16xi32>
        %sub3A_78 = vector.broadcast %mul3A_4 : i32 to vector<16xi32>
        %sub3A_79 = arith.subi %get3A_77, %sub3A_78 : vector<16xi32>
        %ge3A_80 = arith.constant 0 : i32
        %ge3A_81 = vector.broadcast %ge3A_80 : i32 to vector<16xi32>
        %ge3A_82 = arith.cmpi sge, %sub3A_79, %ge3A_81 : vector<16xi32>
        %lt3A_83 = arith.constant 25000 : i32
        %lt3A_84 = vector.broadcast %lt3A_83 : i32 to vector<16xi32>
        %lt3A_85 = arith.cmpi slt, %sub3A_79, %lt3A_84 : vector<16xi32>
        %and3A_86 = arith.andi %ge3A_82, %lt3A_85 : vector<16xi1>
        %jit3A_87 = arith.constant 25000 : i32
        %broadcast_in_dim3A_88 = vector.broadcast %jit3A_87 : i32 to vector<16xi32>
        %select_n3A_89 = arith.select %and3A_86, %sub3A_79, %broadcast_in_dim3A_88 : vector<16xi1>, vector<16xi32>
        %swap3A_90 = arith.constant 48 : index
        %swap3A_91 = tpu.vector_load %arg10[%swap3A_90] {strides = array<i32>} : memref<128xi32, #tpu.memory_space<vmem>>, vector<16xi32>,
        %swap3A_92 = vector.shape_cast %swap3A_91 : vector<16xi32> to vector<16xi32>
        %swap3A_93 = vector.shape_cast %select_n3A_89 : vector<16xi32> to vector<16xi32>
        tpu.vector_store %arg10[%swap3A_90], %swap3A_93 {strides = array<i32>} : memref<128xi32, #tpu.memory_space<vmem>>, vector<16xi32>,
        %get3A_94 = arith.constant 64 : index
        %get3A_95 = tpu.vector_load %arg10[%get3A_94] {strides = array<i32>} : memref<128xi32, #tpu.memory_space<vmem>>, vector<16xi32>,
        %get3A_96 = vector.shape_cast %get3A_95 : vector<16xi32> to vector<16xi32>
        %sub3A_97 = vector.broadcast %mul3A_4 : i32 to vector<16xi32>
        %sub3A_98 = arith.subi %get3A_96, %sub3A_97 : vector<16xi32>
        %ge3A_99 = arith.constant 0 : i32
        %ge3A_100 = vector.broadcast %ge3A_99 : i32 to vector<16xi32>
        %ge3A_101 = arith.cmpi sge, %sub3A_98, %ge3A_100 : vector<16xi32>
        %lt3A_102 = arith.constant 25000 : i32
        %lt3A_103 = vector.broadcast %lt3A_102 : i32 to vector<16xi32>
        %lt3A_104 = arith.cmpi slt, %sub3A_98, %lt3A_103 : vector<16xi32>
        %and3A_105 = arith.andi %ge3A_101, %lt3A_104 : vector<16xi1>
        %jit3A_106 = arith.constant 25000 : i32
        %broadcast_in_dim3A_107 = vector.broadcast %jit3A_106 : i32 to vector<16xi32>
        %select_n3A_108 = arith.select %and3A_105, %sub3A_98, %broadcast_in_dim3A_107 : vector<16xi1>, vector<16xi32>
        %swap3A_109 = arith.constant 64 : index
        %swap3A_110 = tpu.vector_load %arg10[%swap3A_109] {strides = array<i32>} : memref<128xi32, #tpu.memory_space<vmem>>, vector<16xi32>,
        %swap3A_111 = vector.shape_cast %swap3A_110 : vector<16xi32> to vector<16xi32>
        %swap3A_112 = vector.shape_cast %select_n3A_108 : vector<16xi32> to vector<16xi32>
        tpu.vector_store %arg10[%swap3A_109], %swap3A_112 {strides = array<i32>} : memref<128xi32, #tpu.memory_space<vmem>>, vector<16xi32>,
        %get3A_113 = arith.constant 80 : index
        %get3A_114 = tpu.vector_load %arg10[%get3A_113] {strides = array<i32>} : memref<128xi32, #tpu.memory_space<vmem>>, vector<16xi32>,
        %get3A_115 = vector.shape_cast %get3A_114 : vector<16xi32> to vector<16xi32>
        %sub3A_116 = vector.broadcast %mul3A_4 : i32 to vector<16xi32>
        %sub3A_117 = arith.subi %get3A_115, %sub3A_116 : vector<16xi32>
        %ge3A_118 = arith.constant 0 : i32
        %ge3A_119 = vector.broadcast %ge3A_118 : i32 to vector<16xi32>
        %ge3A_120 = arith.cmpi sge, %sub3A_117, %ge3A_119 : vector<16xi32>
        %lt3A_121 = arith.constant 25000 : i32
        %lt3A_122 = vector.broadcast %lt3A_121 : i32 to vector<16xi32>
        %lt3A_123 = arith.cmpi slt, %sub3A_117, %lt3A_122 : vector<16xi32>
        %and3A_124 = arith.andi %ge3A_120, %lt3A_123 : vector<16xi1>
        %jit3A_125 = arith.constant 25000 : i32
        %broadcast_in_dim3A_126 = vector.broadcast %jit3A_125 : i32 to vector<16xi32>
        %select_n3A_127 = arith.select %and3A_124, %sub3A_117, %broadcast_in_dim3A_126 : vector<16xi1>, vector<16xi32>
        %swap3A_128 = arith.constant 80 : index
        %swap3A_129 = tpu.vector_load %arg10[%swap3A_128] {strides = array<i32>} : memref<128xi32, #tpu.memory_space<vmem>>, vector<16xi32>,
        %swap3A_130 = vector.shape_cast %swap3A_129 : vector<16xi32> to vector<16xi32>
        %swap3A_131 = vector.shape_cast %select_n3A_127 : vector<16xi32> to vector<16xi32>
        tpu.vector_store %arg10[%swap3A_128], %swap3A_131 {strides = array<i32>} : memref<128xi32, #tpu.memory_space<vmem>>, vector<16xi32>,
        %get3A_132 = arith.constant 96 : index
        %get3A_133 = tpu.vector_load %arg10[%get3A_132] {strides = array<i32>} : memref<128xi32, #tpu.memory_space<vmem>>, vector<16xi32>,
        %get3A_134 = vector.shape_cast %get3A_133 : vector<16xi32> to vector<16xi32>
        %sub3A_135 = vector.broadcast %mul3A_4 : i32 to vector<16xi32>
        %sub3A_136 = arith.subi %get3A_134, %sub3A_135 : vector<16xi32>
        %ge3A_137 = arith.constant 0 : i32
        %ge3A_138 = vector.broadcast %ge3A_137 : i32 to vector<16xi32>
        %ge3A_139 = arith.cmpi sge, %sub3A_136, %ge3A_138 : vector<16xi32>
        %lt3A_140 = arith.constant 25000 : i32
        %lt3A_141 = vector.broadcast %lt3A_140 : i32 to vector<16xi32>
        %lt3A_142 = arith.cmpi slt, %sub3A_136, %lt3A_141 : vector<16xi32>
        %and3A_143 = arith.andi %ge3A_139, %lt3A_142 : vector<16xi1>
        %jit3A_144 = arith.constant 25000 : i32
        %broadcast_in_dim3A_145 = vector.broadcast %jit3A_144 : i32 to vector<16xi32>
        %select_n3A_146 = arith.select %and3A_143, %sub3A_136, %broadcast_in_dim3A_145 : vector<16xi1>, vector<16xi32>
        %swap3A_147 = arith.constant 96 : index
        %swap3A_148 = tpu.vector_load %arg10[%swap3A_147] {strides = array<i32>} : memref<128xi32, #tpu.memory_space<vmem>>, vector<16xi32>,
        %swap3A_149 = vector.shape_cast %swap3A_148 : vector<16xi32> to vector<16xi32>
        %swap3A_150 = vector.shape_cast %select_n3A_146 : vector<16xi32> to vector<16xi32>
        tpu.vector_store %arg10[%swap3A_147], %swap3A_150 {strides = array<i32>} : memref<128xi32, #tpu.memory_space<vmem>>, vector<16xi32>,
        %get3A_151 = arith.constant 112 : index
        %get3A_152 = tpu.vector_load %arg10[%get3A_151] {strides = array<i32>} : memref<128xi32, #tpu.memory_space<vmem>>, vector<16xi32>,
        %get3A_153 = vector.shape_cast %get3A_152 : vector<16xi32> to vector<16xi32>
        %sub3A_154 = vector.broadcast %mul3A_4 : i32 to vector<16xi32>
        %sub3A_155 = arith.subi %get3A_153, %sub3A_154 : vector<16xi32>
        %ge3A_156 = arith.constant 0 : i32
        %ge3A_157 = vector.broadcast %ge3A_156 : i32 to vector<16xi32>
        %ge3A_158 = arith.cmpi sge, %sub3A_155, %ge3A_157 : vector<16xi32>
        %lt3A_159 = arith.constant 25000 : i32
        %lt3A_160 = vector.broadcast %lt3A_159 : i32 to vector<16xi32>
        %lt3A_161 = arith.cmpi slt, %sub3A_155, %lt3A_160 : vector<16xi32>
        %and3A_162 = arith.andi %ge3A_158, %lt3A_161 : vector<16xi1>
        %jit3A_163 = arith.constant 25000 : i32
        %broadcast_in_dim3A_164 = vector.broadcast %jit3A_163 : i32 to vector<16xi32>
        %select_n3A_165 = arith.select %and3A_162, %sub3A_155, %broadcast_in_dim3A_164 : vector<16xi1>, vector<16xi32>
        %swap3A_166 = arith.constant 112 : index
        %swap3A_167 = tpu.vector_load %arg10[%swap3A_166] {strides = array<i32>} : memref<128xi32, #tpu.memory_space<vmem>>, vector<16xi32>,
        %swap3A_168 = vector.shape_cast %swap3A_167 : vector<16xi32> to vector<16xi32>
        %swap3A_169 = vector.shape_cast %select_n3A_165 : vector<16xi32> to vector<16xi32>
        tpu.vector_store %arg10[%swap3A_166], %swap3A_169 {strides = array<i32>} : memref<128xi32, #tpu.memory_space<vmem>>, vector<16xi32>,
        "tpu.region"() ({
          %run_scoped3A = tpu.sem_alloc : memref<!tpu.dma_semaphore, #tpu.memory_space<semaphore_mem>>
          %dma_start3A_170 = arith.constant 0 : i32
          %dma_start3A_171 = arith.constant 0 : i32
          %dma_start3A_172 = tpu.memref_slice %arg13[%dma_start3A_170, %dma_start3A_171] : memref<25088x64xf32, #tpu.memory_space<vmem_shared>> -> memref<25088x64xf32, #tpu.memory_space<vmem_shared>>
          tpu.enqueue_indirect_dma source(%arg11 : memref<128x64xf32, #tpu.memory_space<vmem>>) target(%dma_start3A_172 : memref<25088x64xf32, #tpu.memory_space<vmem_shared>>) offsets(%arg10 : memref<128xi32, #tpu.memory_space<vmem>>) semaphore(%run_scoped3A : memref<!tpu.dma_semaphore, #tpu.memory_space<semaphore_mem>>) {add = true}
          %dma_wait3A_173 = arith.constant 0 : i32
          %dma_wait3A_174 = arith.constant 0 : i32
          %dma_wait3A_175 = tpu.memref_slice %arg13[%dma_wait3A_173, %dma_wait3A_174] : memref<25088x64xf32, #tpu.memory_space<vmem_shared>> -> memref<25088x64xf32, #tpu.memory_space<vmem_shared>>
          tpu.wait_indirect_dma semaphore(%run_scoped3A : memref<!tpu.dma_semaphore, #tpu.memory_space<semaphore_mem>>) src(%arg11 : memref<128x64xf32, #tpu.memory_space<vmem>>) dst(%dma_wait3A_175 : memref<25088x64xf32, #tpu.memory_space<vmem_shared>>)
          tpu.yield
        }) : () -> ()
      } else {
      }
    }
    %scan3A_9 = arith.constant 391 : i32
    %barrier3A_10 = arith.constant 0 : index
    tpu.barrier barrier_id(%barrier3A_10)
    %mul3A_11 = arith.constant 1568 : i32
    %mul3A_12 = arith.muli %arg1, %mul3A_11 : i32
    %mul3A_13 = arith.constant 1568 : i32
    %mul3A_14 = arith.muli %arg1, %mul3A_13 : i32
    "tpu.region"() ({
      %run_scoped3A = tpu.sem_alloc : memref<!tpu.dma_semaphore, #tpu.memory_space<semaphore_mem>>
      %dma_start3A = arith.constant 0 : i32
      %dma_start3A_15 = tpu.memref_slice %arg8[%arg0, %mul3A_14, %dma_start3A] : memref<2x25088x64xf32, #tpu.memory_space<hbm>> -> memref<1x1568x64xf32, #tpu.memory_space<hbm>>
      %dma_start3A_16 = tpu.memref_squeeze %dma_start3A_15 : memref<1x1568x64xf32, #tpu.memory_space<hbm>> -> memref<1568x64xf32, #tpu.memory_space<hbm>>
      %dma_start3A_17 = arith.constant 0 : i32
      %dma_start3A_18 = tpu.memref_slice %arg13[%mul3A_12, %dma_start3A_17] : memref<25088x64xf32, #tpu.memory_space<vmem_shared>> -> memref<1568x64xf32, #tpu.memory_space<vmem_shared>>
      tpu.enqueue_dma source(%dma_start3A_18 : memref<1568x64xf32, #tpu.memory_space<vmem_shared>>) target(%dma_start3A_16 : memref<1568x64xf32, #tpu.memory_space<hbm>>) target_semaphore(%run_scoped3A : memref<!tpu.dma_semaphore, #tpu.memory_space<semaphore_mem>>)
      %dma_wait3A = arith.constant 0 : i32
      %dma_wait3A_19 = tpu.memref_slice %arg8[%arg0, %mul3A_14, %dma_wait3A] : memref<2x25088x64xf32, #tpu.memory_space<hbm>> -> memref<1x1568x64xf32, #tpu.memory_space<hbm>>
      %dma_wait3A_20 = tpu.memref_squeeze %dma_wait3A_19 : memref<1x1568x64xf32, #tpu.memory_space<hbm>> -> memref<1568x64xf32, #tpu.memory_space<hbm>>
      %dma_wait3A_21 = arith.constant 0 : i32
      %dma_wait3A_22 = tpu.memref_slice %arg13[%mul3A_12, %dma_wait3A_21] : memref<25088x64xf32, #tpu.memory_space<vmem_shared>> -> memref<1568x64xf32, #tpu.memory_space<vmem_shared>>
      tpu.wait_dma2 semaphore(%run_scoped3A : memref<!tpu.dma_semaphore, #tpu.memory_space<semaphore_mem>>) src(%dma_wait3A_22 : memref<1568x64xf32, #tpu.memory_space<vmem_shared>>) dst(%dma_wait3A_20 : memref<1568x64xf32, #tpu.memory_space<hbm>>)
      tpu.yield
    }) : () -> ()
    return
  }
}

#map = affine_map<(d0, d1) -> (0, 0)>
#map1 = affine_map<(d0, d1) -> (0)>
#map2 = affine_map<(d0, d1) -> (0, 0, 0)>
module attributes {stable_mosaic.version = 14 : i64} {
  func.func @body(%arg0: i32, %arg1: i32, %arg2: memref<50000x64xf32, #tpu.memory_space<hbm>>, %arg3: memref<800000xi32, #tpu.memory_space<hbm>>, %arg4: memref<800000xi32, #tpu.memory_space<hbm>>, %arg5: memref<25088x64xf32, #tpu.memory_space<hbm>>, %arg6: memref<25088x8xf32, #tpu.memory_space<hbm>>, %arg7: memref<128x8xf32, #tpu.memory_space<hbm>>, %arg8: memref<2x10240x64xf32, #tpu.memory_space<hbm>>, %arg9: memref<2x10240x8xf32, #tpu.memory_space<hbm>>, %arg10: memref<128xi32, #tpu.memory_space<vmem>>, %arg11: memref<128xi32, #tpu.memory_space<vmem>>, %arg12: memref<128x64xf32, #tpu.memory_space<vmem>>, %arg13: memref<128x8xf32, #tpu.memory_space<vmem>>, %arg14: memref<10240x64xf32, #tpu.memory_space<vmem_shared>>, %arg15: memref<10240x8xf32, #tpu.memory_space<vmem_shared>>, %arg16: memref<!tpu.dma_semaphore, #tpu.memory_space<semaphore_mem>>) attributes {dimension_semantics = [#tpu.dimension_semantics<core_parallel>, #tpu.dimension_semantics<subcore_parallel>], iteration_bounds = array<i64: 2, 16>, scalar_prefetch = 0 : i64, scratch_operands = 7 : i64, tpu.core_type = #tpu.core_type<sc_vector_subcore>, window_params = [{transform_indices = #map}, {transform_indices = #map1}, {transform_indices = #map1}, {transform_indices = #map}, {transform_indices = #map}, {transform_indices = #map}, {transform_indices = #map2}, {transform_indices = #map2}]} {
    %mul3A = arith.constant 2 : i32
    %mul3A_0 = arith.muli %arg1, %mul3A : i32
    %add3A = arith.addi %mul3A_0, %arg0 : i32
    %mul3A_1 = arith.constant 640 : i32
    %mul3A_2 = arith.muli %arg1, %mul3A_1 : i32
    %mul3A_3 = arith.constant 640 : i32
    %mul3A_4 = arith.muli %arg1, %mul3A_3 : i32
    "tpu.region"() ({
      %run_scoped3A = tpu.sem_alloc : memref<!tpu.dma_semaphore, #tpu.memory_space<semaphore_mem>>
      %dma_start3A = arith.constant 0 : i32
      %dma_start3A_23 = tpu.memref_slice %arg14[%mul3A_4, %dma_start3A] : memref<10240x64xf32, #tpu.memory_space<vmem_shared>> -> memref<640x64xf32, #tpu.memory_space<vmem_shared>>
      %dma_start3A_24 = arith.constant 0 : i32
      %dma_start3A_25 = tpu.memref_slice %arg5[%mul3A_2, %dma_start3A_24] : memref<25088x64xf32, #tpu.memory_space<hbm>> -> memref<640x64xf32, #tpu.memory_space<hbm>>
      tpu.enqueue_dma source(%dma_start3A_25 : memref<640x64xf32, #tpu.memory_space<hbm>>) target(%dma_start3A_23 : memref<640x64xf32, #tpu.memory_space<vmem_shared>>) target_semaphore(%run_scoped3A : memref<!tpu.dma_semaphore, #tpu.memory_space<semaphore_mem>>)
      %dma_wait3A = arith.constant 0 : i32
      %dma_wait3A_26 = tpu.memref_slice %arg14[%mul3A_4, %dma_wait3A] : memref<10240x64xf32, #tpu.memory_space<vmem_shared>> -> memref<640x64xf32, #tpu.memory_space<vmem_shared>>
      %dma_wait3A_27 = arith.constant 0 : i32
      %dma_wait3A_28 = tpu.memref_slice %arg5[%mul3A_2, %dma_wait3A_27] : memref<25088x64xf32, #tpu.memory_space<hbm>> -> memref<640x64xf32, #tpu.memory_space<hbm>>
      tpu.wait_dma2 semaphore(%run_scoped3A : memref<!tpu.dma_semaphore, #tpu.memory_space<semaphore_mem>>) src(%dma_wait3A_28 : memref<640x64xf32, #tpu.memory_space<hbm>>) dst(%dma_wait3A_26 : memref<640x64xf32, #tpu.memory_space<vmem_shared>>)
      tpu.yield
    }) : () -> ()
    %mul3A_5 = arith.constant 640 : i32
    %mul3A_6 = arith.muli %arg1, %mul3A_5 : i32
    %mul3A_7 = arith.constant 640 : i32
    %mul3A_8 = arith.muli %arg1, %mul3A_7 : i32
    "tpu.region"() ({
      %run_scoped3A = tpu.sem_alloc : memref<!tpu.dma_semaphore, #tpu.memory_space<semaphore_mem>>
      %dma_start3A = arith.constant 0 : i32
      %dma_start3A_23 = tpu.memref_slice %arg15[%mul3A_8, %dma_start3A] : memref<10240x8xf32, #tpu.memory_space<vmem_shared>> -> memref<640x8xf32, #tpu.memory_space<vmem_shared>>
      %dma_start3A_24 = arith.constant 0 : i32
      %dma_start3A_25 = tpu.memref_slice %arg6[%mul3A_6, %dma_start3A_24] : memref<25088x8xf32, #tpu.memory_space<hbm>> -> memref<640x8xf32, #tpu.memory_space<hbm>>
      tpu.enqueue_dma source(%dma_start3A_25 : memref<640x8xf32, #tpu.memory_space<hbm>>) target(%dma_start3A_23 : memref<640x8xf32, #tpu.memory_space<vmem_shared>>) target_semaphore(%run_scoped3A : memref<!tpu.dma_semaphore, #tpu.memory_space<semaphore_mem>>)
      %dma_wait3A = arith.constant 0 : i32
      %dma_wait3A_26 = tpu.memref_slice %arg15[%mul3A_8, %dma_wait3A] : memref<10240x8xf32, #tpu.memory_space<vmem_shared>> -> memref<640x8xf32, #tpu.memory_space<vmem_shared>>
      %dma_wait3A_27 = arith.constant 0 : i32
      %dma_wait3A_28 = tpu.memref_slice %arg6[%mul3A_6, %dma_wait3A_27] : memref<25088x8xf32, #tpu.memory_space<hbm>> -> memref<640x8xf32, #tpu.memory_space<hbm>>
      tpu.wait_dma2 semaphore(%run_scoped3A : memref<!tpu.dma_semaphore, #tpu.memory_space<semaphore_mem>>) src(%dma_wait3A_28 : memref<640x8xf32, #tpu.memory_space<hbm>>) dst(%dma_wait3A_26 : memref<640x8xf32, #tpu.memory_space<vmem_shared>>)
      tpu.yield
    }) : () -> ()
    "tpu.region"() ({
      %run_scoped3A = tpu.sem_alloc : memref<!tpu.dma_semaphore, #tpu.memory_space<semaphore_mem>>
      tpu.enqueue_dma source(%arg7 : memref<128x8xf32, #tpu.memory_space<hbm>>) target(%arg13 : memref<128x8xf32, #tpu.memory_space<vmem>>) target_semaphore(%run_scoped3A : memref<!tpu.dma_semaphore, #tpu.memory_space<semaphore_mem>>)
      tpu.wait_dma2 semaphore(%run_scoped3A : memref<!tpu.dma_semaphore, #tpu.memory_space<semaphore_mem>>) src(%arg7 : memref<128x8xf32, #tpu.memory_space<hbm>>) dst(%arg13 : memref<128x8xf32, #tpu.memory_space<vmem>>)
      tpu.yield
    }) : () -> ()
    %barrier3A = arith.constant 0 : index
    tpu.barrier barrier_id(%barrier3A)
    %scan3A = arith.constant 0 : i32
    %scan3A_9 = arith.constant 0 : i32
    %scan3A_10 = arith.constant 196 : i32
    %scan3A_11 = arith.addi %scan3A_9, %scan3A_10 : i32
    %scan3A_12 = arith.constant 1 : i32
    scf.for %scan3A_23 = %scan3A_9 to %scan3A_11 step %scan3A_12  : i32 {
      %mul3A_24 = arith.constant 32 : i32
      %mul3A_25 = arith.muli %mul3A_24, %scan3A_23 : i32
      %add3A_26 = arith.addi %add3A, %mul3A_25 : i32
      %lt3A = arith.constant 6250 : i32
      %lt3A_27 = arith.cmpi slt, %add3A_26, %lt3A : i32
      %convert_element_type3A = arith.extui %lt3A_27 : i1 to i32
      %cond3A = arith.constant 0 : i32
      %cond3A_28 = arith.cmpi ne, %convert_element_type3A, %cond3A : i32
      scf.if %cond3A_28 {
        %mul3A_29 = arith.constant 128 : i32
        %mul3A_30 = arith.muli %add3A_26, %mul3A_29 : i32
        "tpu.region"() ({
          %run_scoped3A = tpu.sem_alloc : memref<!tpu.dma_semaphore, #tpu.memory_space<semaphore_mem>>
          %dma_start3A_35 = tpu.memref_slice %arg3[%mul3A_30] : memref<800000xi32, #tpu.memory_space<hbm>> -> memref<128xi32, #tpu.memory_space<hbm>>
          %dma_start3A_36 = tpu.memref_slice %arg3[%mul3A_30] : memref<800000xi32, #tpu.memory_space<hbm>> -> memref<128xi32, #tpu.memory_space<hbm>>
          tpu.enqueue_dma source(%dma_start3A_36 : memref<128xi32, #tpu.memory_space<hbm>>) target(%arg10 : memref<128xi32, #tpu.memory_space<vmem>>) target_semaphore(%run_scoped3A : memref<!tpu.dma_semaphore, #tpu.memory_space<semaphore_mem>>)
          %dma_wait3A_37 = tpu.memref_slice %arg3[%mul3A_30] : memref<800000xi32, #tpu.memory_space<hbm>> -> memref<128xi32, #tpu.memory_space<hbm>>
          %dma_wait3A_38 = tpu.memref_slice %arg3[%mul3A_30] : memref<800000xi32, #tpu.memory_space<hbm>> -> memref<128xi32, #tpu.memory_space<hbm>>
          tpu.wait_dma2 semaphore(%run_scoped3A : memref<!tpu.dma_semaphore, #tpu.memory_space<semaphore_mem>>) src(%dma_wait3A_38 : memref<128xi32, #tpu.memory_space<hbm>>) dst(%arg10 : memref<128xi32, #tpu.memory_space<vmem>>)
          tpu.yield
        }) : () -> ()
        %dma_start3A = arith.constant 0 : i32
        %dma_start3A_31 = arith.constant 0 : i32
        %dma_start3A_32 = tpu.memref_slice %arg2[%dma_start3A, %dma_start3A_31] : memref<50000x64xf32, #tpu.memory_space<hbm>> -> memref<50000x64xf32, #tpu.memory_space<hbm>>
        tpu.enqueue_indirect_dma source(%dma_start3A_32 : memref<50000x64xf32, #tpu.memory_space<hbm>>) target(%arg12 : memref<128x64xf32, #tpu.memory_space<vmem>>) offsets(%arg10 : memref<128xi32, #tpu.memory_space<vmem>>) semaphore(%arg16 : memref<!tpu.dma_semaphore, #tpu.memory_space<semaphore_mem>>)
        %dma_wait3A = arith.constant 0 : i32
        %dma_wait3A_33 = arith.constant 0 : i32
        %dma_wait3A_34 = tpu.memref_slice %arg2[%dma_wait3A, %dma_wait3A_33] : memref<50000x64xf32, #tpu.memory_space<hbm>> -> memref<50000x64xf32, #tpu.memory_space<hbm>>
        tpu.wait_indirect_dma semaphore(%arg16 : memref<!tpu.dma_semaphore, #tpu.memory_space<semaphore_mem>>) src(%dma_wait3A_34 : memref<50000x64xf32, #tpu.memory_space<hbm>>) dst(%arg12 : memref<128x64xf32, #tpu.memory_space<vmem>>)
        "tpu.region"() ({
          %run_scoped3A = tpu.sem_alloc : memref<!tpu.dma_semaphore, #tpu.memory_space<semaphore_mem>>
          %dma_start3A_35 = tpu.memref_slice %arg4[%mul3A_30] : memref<800000xi32, #tpu.memory_space<hbm>> -> memref<128xi32, #tpu.memory_space<hbm>>
          %dma_start3A_36 = tpu.memref_slice %arg4[%mul3A_30] : memref<800000xi32, #tpu.memory_space<hbm>> -> memref<128xi32, #tpu.memory_space<hbm>>
          tpu.enqueue_dma source(%dma_start3A_36 : memref<128xi32, #tpu.memory_space<hbm>>) target(%arg11 : memref<128xi32, #tpu.memory_space<vmem>>) target_semaphore(%run_scoped3A : memref<!tpu.dma_semaphore, #tpu.memory_space<semaphore_mem>>)
          %dma_wait3A_37 = tpu.memref_slice %arg4[%mul3A_30] : memref<800000xi32, #tpu.memory_space<hbm>> -> memref<128xi32, #tpu.memory_space<hbm>>
          %dma_wait3A_38 = tpu.memref_slice %arg4[%mul3A_30] : memref<800000xi32, #tpu.memory_space<hbm>> -> memref<128xi32, #tpu.memory_space<hbm>>
          tpu.wait_dma2 semaphore(%run_scoped3A : memref<!tpu.dma_semaphore, #tpu.memory_space<semaphore_mem>>) src(%dma_wait3A_38 : memref<128xi32, #tpu.memory_space<hbm>>) dst(%arg11 : memref<128xi32, #tpu.memory_space<vmem>>)
          tpu.yield
        }) : () -> ()
        "tpu.region"() ({
          %run_scoped3A = tpu.sem_alloc : memref<!tpu.dma_semaphore, #tpu.memory_space<semaphore_mem>>
          %dma_start3A_35 = arith.constant 0 : i32
          %dma_start3A_36 = arith.constant 0 : i32
          %dma_start3A_37 = tpu.memref_slice %arg14[%dma_start3A_35, %dma_start3A_36] : memref<10240x64xf32, #tpu.memory_space<vmem_shared>> -> memref<10240x64xf32, #tpu.memory_space<vmem_shared>>
          tpu.enqueue_indirect_dma source(%arg12 : memref<128x64xf32, #tpu.memory_space<vmem>>) target(%dma_start3A_37 : memref<10240x64xf32, #tpu.memory_space<vmem_shared>>) offsets(%arg11 : memref<128xi32, #tpu.memory_space<vmem>>) semaphore(%run_scoped3A : memref<!tpu.dma_semaphore, #tpu.memory_space<semaphore_mem>>) {add = true}
          %dma_wait3A_38 = arith.constant 0 : i32
          %dma_wait3A_39 = arith.constant 0 : i32
          %dma_wait3A_40 = tpu.memref_slice %arg14[%dma_wait3A_38, %dma_wait3A_39] : memref<10240x64xf32, #tpu.memory_space<vmem_shared>> -> memref<10240x64xf32, #tpu.memory_space<vmem_shared>>
          tpu.wait_indirect_dma semaphore(%run_scoped3A : memref<!tpu.dma_semaphore, #tpu.memory_space<semaphore_mem>>) src(%arg12 : memref<128x64xf32, #tpu.memory_space<vmem>>) dst(%dma_wait3A_40 : memref<10240x64xf32, #tpu.memory_space<vmem_shared>>)
          tpu.yield
        }) : () -> ()
        "tpu.region"() ({
          %run_scoped3A = tpu.sem_alloc : memref<!tpu.dma_semaphore, #tpu.memory_space<semaphore_mem>>
          %dma_start3A_35 = arith.constant 0 : i32
          %dma_start3A_36 = arith.constant 0 : i32
          %dma_start3A_37 = tpu.memref_slice %arg15[%dma_start3A_35, %dma_start3A_36] : memref<10240x8xf32, #tpu.memory_space<vmem_shared>> -> memref<10240x8xf32, #tpu.memory_space<vmem_shared>>
          tpu.enqueue_indirect_dma source(%arg13 : memref<128x8xf32, #tpu.memory_space<vmem>>) target(%dma_start3A_37 : memref<10240x8xf32, #tpu.memory_space<vmem_shared>>) offsets(%arg11 : memref<128xi32, #tpu.memory_space<vmem>>) semaphore(%run_scoped3A : memref<!tpu.dma_semaphore, #tpu.memory_space<semaphore_mem>>) {add = true}
          %dma_wait3A_38 = arith.constant 0 : i32
          %dma_wait3A_39 = arith.constant 0 : i32
          %dma_wait3A_40 = tpu.memref_slice %arg15[%dma_wait3A_38, %dma_wait3A_39] : memref<10240x8xf32, #tpu.memory_space<vmem_shared>> -> memref<10240x8xf32, #tpu.memory_space<vmem_shared>>
          tpu.wait_indirect_dma semaphore(%run_scoped3A : memref<!tpu.dma_semaphore, #tpu.memory_space<semaphore_mem>>) src(%arg13 : memref<128x8xf32, #tpu.memory_space<vmem>>) dst(%dma_wait3A_40 : memref<10240x8xf32, #tpu.memory_space<vmem_shared>>)
          tpu.yield
        }) : () -> ()
      } else {
      }
    }
    %scan3A_13 = arith.constant 196 : i32
    %barrier3A_14 = arith.constant 0 : index
    tpu.barrier barrier_id(%barrier3A_14)
    %mul3A_15 = arith.constant 640 : i32
    %mul3A_16 = arith.muli %arg1, %mul3A_15 : i32
    %mul3A_17 = arith.constant 640 : i32
    %mul3A_18 = arith.muli %arg1, %mul3A_17 : i32
    "tpu.region"() ({
      %run_scoped3A = tpu.sem_alloc : memref<!tpu.dma_semaphore, #tpu.memory_space<semaphore_mem>>
      %dma_start3A = arith.constant 0 : i32
      %dma_start3A_23 = tpu.memref_slice %arg8[%arg0, %mul3A_18, %dma_start3A] : memref<2x10240x64xf32, #tpu.memory_space<hbm>> -> memref<1x640x64xf32, #tpu.memory_space<hbm>>
      %dma_start3A_24 = tpu.memref_squeeze %dma_start3A_23 : memref<1x640x64xf32, #tpu.memory_space<hbm>> -> memref<640x64xf32, #tpu.memory_space<hbm>>
      %dma_start3A_25 = arith.constant 0 : i32
      %dma_start3A_26 = tpu.memref_slice %arg14[%mul3A_16, %dma_start3A_25] : memref<10240x64xf32, #tpu.memory_space<vmem_shared>> -> memref<640x64xf32, #tpu.memory_space<vmem_shared>>
      tpu.enqueue_dma source(%dma_start3A_26 : memref<640x64xf32, #tpu.memory_space<vmem_shared>>) target(%dma_start3A_24 : memref<640x64xf32, #tpu.memory_space<hbm>>) target_semaphore(%run_scoped3A : memref<!tpu.dma_semaphore, #tpu.memory_space<semaphore_mem>>)
      %dma_wait3A = arith.constant 0 : i32
      %dma_wait3A_27 = tpu.memref_slice %arg8[%arg0, %mul3A_18, %dma_wait3A] : memref<2x10240x64xf32, #tpu.memory_space<hbm>> -> memref<1x640x64xf32, #tpu.memory_space<hbm>>
      %dma_wait3A_28 = tpu.memref_squeeze %dma_wait3A_27 : memref<1x640x64xf32, #tpu.memory_space<hbm>> -> memref<640x64xf32, #tpu.memory_space<hbm>>
      %dma_wait3A_29 = arith.constant 0 : i32
      %dma_wait3A_30 = tpu.memref_slice %arg14[%mul3A_16, %dma_wait3A_29] : memref<10240x64xf32, #tpu.memory_space<vmem_shared>> -> memref<640x64xf32, #tpu.memory_space<vmem_shared>>
      tpu.wait_dma2 semaphore(%run_scoped3A : memref<!tpu.dma_semaphore, #tpu.memory_space<semaphore_mem>>) src(%dma_wait3A_30 : memref<640x64xf32, #tpu.memory_space<vmem_shared>>) dst(%dma_wait3A_28 : memref<640x64xf32, #tpu.memory_space<hbm>>)
      tpu.yield
    }) : () -> ()
    %mul3A_19 = arith.constant 640 : i32
    %mul3A_20 = arith.muli %arg1, %mul3A_19 : i32
    %mul3A_21 = arith.constant 640 : i32
    %mul3A_22 = arith.muli %arg1, %mul3A_21 : i32
    "tpu.region"() ({
      %run_scoped3A = tpu.sem_alloc : memref<!tpu.dma_semaphore, #tpu.memory_space<semaphore_mem>>
      %dma_start3A = arith.constant 0 : i32
      %dma_start3A_23 = tpu.memref_slice %arg9[%arg0, %mul3A_22, %dma_start3A] : memref<2x10240x8xf32, #tpu.memory_space<hbm>> -> memref<1x640x8xf32, #tpu.memory_space<hbm>>
      %dma_start3A_24 = tpu.memref_squeeze %dma_start3A_23 : memref<1x640x8xf32, #tpu.memory_space<hbm>> -> memref<640x8xf32, #tpu.memory_space<hbm>>
      %dma_start3A_25 = arith.constant 0 : i32
      %dma_start3A_26 = tpu.memref_slice %arg15[%mul3A_20, %dma_start3A_25] : memref<10240x8xf32, #tpu.memory_space<vmem_shared>> -> memref<640x8xf32, #tpu.memory_space<vmem_shared>>
      tpu.enqueue_dma source(%dma_start3A_26 : memref<640x8xf32, #tpu.memory_space<vmem_shared>>) target(%dma_start3A_24 : memref<640x8xf32, #tpu.memory_space<hbm>>) target_semaphore(%run_scoped3A : memref<!tpu.dma_semaphore, #tpu.memory_space<semaphore_mem>>)
      %dma_wait3A = arith.constant 0 : i32
      %dma_wait3A_27 = tpu.memref_slice %arg9[%arg0, %mul3A_22, %dma_wait3A] : memref<2x10240x8xf32, #tpu.memory_space<hbm>> -> memref<1x640x8xf32, #tpu.memory_space<hbm>>
      %dma_wait3A_28 = tpu.memref_squeeze %dma_wait3A_27 : memref<1x640x8xf32, #tpu.memory_space<hbm>> -> memref<640x8xf32, #tpu.memory_space<hbm>>
      %dma_wait3A_29 = arith.constant 0 : i32
      %dma_wait3A_30 = tpu.memref_slice %arg15[%mul3A_20, %dma_wait3A_29] : memref<10240x8xf32, #tpu.memory_space<vmem_shared>> -> memref<640x8xf32, #tpu.memory_space<vmem_shared>>
      tpu.wait_dma2 semaphore(%run_scoped3A : memref<!tpu.dma_semaphore, #tpu.memory_space<semaphore_mem>>) src(%dma_wait3A_30 : memref<640x8xf32, #tpu.memory_space<vmem_shared>>) dst(%dma_wait3A_28 : memref<640x8xf32, #tpu.memory_space<hbm>>)
      tpu.yield
    }) : () -> ()
    return
  }
}

#map = affine_map<(d0, d1) -> (0, 0)>
#map1 = affine_map<(d0, d1) -> (0)>
#map2 = affine_map<(d0, d1) -> (0, 0, 0)>
module attributes {stable_mosaic.version = 14 : i64} {
  func.func @body(%arg0: i32, %arg1: i32, %arg2: memref<50000x64xf32, #tpu.memory_space<hbm>>, %arg3: memref<800000xi32, #tpu.memory_space<hbm>>, %arg4: memref<800000xi32, #tpu.memory_space<hbm>>, %arg5: memref<25088x64xf32, #tpu.memory_space<hbm>>, %arg6: memref<25088x8xf32, #tpu.memory_space<hbm>>, %arg7: memref<128x8xf32, #tpu.memory_space<hbm>>, %arg8: memref<2x10240x64xf32, #tpu.memory_space<hbm>>, %arg9: memref<128xi32, #tpu.memory_space<vmem>>, %arg10: memref<128xi32, #tpu.memory_space<vmem>>, %arg11: memref<128x64xf32, #tpu.memory_space<vmem>>, %arg12: memref<128x8xf32, #tpu.memory_space<vmem>>, %arg13: memref<10240x64xf32, #tpu.memory_space<vmem_shared>>, %arg14: memref<10240x8xf32, #tpu.memory_space<vmem_shared>>, %arg15: memref<!tpu.dma_semaphore, #tpu.memory_space<semaphore_mem>>) attributes {dimension_semantics = [#tpu.dimension_semantics<core_parallel>, #tpu.dimension_semantics<subcore_parallel>], iteration_bounds = array<i64: 2, 16>, scalar_prefetch = 0 : i64, scratch_operands = 7 : i64, tpu.core_type = #tpu.core_type<sc_vector_subcore>, window_params = [{transform_indices = #map}, {transform_indices = #map1}, {transform_indices = #map1}, {transform_indices = #map}, {transform_indices = #map}, {transform_indices = #map}, {transform_indices = #map2}]} {
    %mul3A = arith.constant 2 : i32
    %mul3A_0 = arith.muli %arg1, %mul3A : i32
    %add3A = arith.addi %mul3A_0, %arg0 : i32
    %mul3A_1 = arith.constant 640 : i32
    %mul3A_2 = arith.muli %arg1, %mul3A_1 : i32
    %mul3A_3 = arith.constant 640 : i32
    %mul3A_4 = arith.muli %arg1, %mul3A_3 : i32
    "tpu.region"() ({
      %run_scoped3A = tpu.sem_alloc : memref<!tpu.dma_semaphore, #tpu.memory_space<semaphore_mem>>
      %dma_start3A = arith.constant 0 : i32
      %dma_start3A_15 = tpu.memref_slice %arg13[%mul3A_4, %dma_start3A] : memref<10240x64xf32, #tpu.memory_space<vmem_shared>> -> memref<640x64xf32, #tpu.memory_space<vmem_shared>>
      %dma_start3A_16 = arith.constant 0 : i32
      %dma_start3A_17 = tpu.memref_slice %arg5[%mul3A_2, %dma_start3A_16] : memref<25088x64xf32, #tpu.memory_space<hbm>> -> memref<640x64xf32, #tpu.memory_space<hbm>>
      tpu.enqueue_dma source(%dma_start3A_17 : memref<640x64xf32, #tpu.memory_space<hbm>>) target(%dma_start3A_15 : memref<640x64xf32, #tpu.memory_space<vmem_shared>>) target_semaphore(%run_scoped3A : memref<!tpu.dma_semaphore, #tpu.memory_space<semaphore_mem>>)
      %dma_wait3A = arith.constant 0 : i32
      %dma_wait3A_18 = tpu.memref_slice %arg13[%mul3A_4, %dma_wait3A] : memref<10240x64xf32, #tpu.memory_space<vmem_shared>> -> memref<640x64xf32, #tpu.memory_space<vmem_shared>>
      %dma_wait3A_19 = arith.constant 0 : i32
      %dma_wait3A_20 = tpu.memref_slice %arg5[%mul3A_2, %dma_wait3A_19] : memref<25088x64xf32, #tpu.memory_space<hbm>> -> memref<640x64xf32, #tpu.memory_space<hbm>>
      tpu.wait_dma2 semaphore(%run_scoped3A : memref<!tpu.dma_semaphore, #tpu.memory_space<semaphore_mem>>) src(%dma_wait3A_20 : memref<640x64xf32, #tpu.memory_space<hbm>>) dst(%dma_wait3A_18 : memref<640x64xf32, #tpu.memory_space<vmem_shared>>)
      tpu.yield
    }) : () -> ()
    %barrier3A = arith.constant 0 : index
    tpu.barrier barrier_id(%barrier3A)
    %scan3A = arith.constant 0 : i32
    %scan3A_5 = arith.constant 0 : i32
    %scan3A_6 = arith.constant 196 : i32
    %scan3A_7 = arith.addi %scan3A_5, %scan3A_6 : i32
    %scan3A_8 = arith.constant 1 : i32
    scf.for %scan3A_15 = %scan3A_5 to %scan3A_7 step %scan3A_8  : i32 {
      %mul3A_16 = arith.constant 32 : i32
      %mul3A_17 = arith.muli %mul3A_16, %scan3A_15 : i32
      %add3A_18 = arith.addi %add3A, %mul3A_17 : i32
      %lt3A = arith.constant 6250 : i32
      %lt3A_19 = arith.cmpi slt, %add3A_18, %lt3A : i32
      %convert_element_type3A = arith.extui %lt3A_19 : i1 to i32
      %cond3A = arith.constant 0 : i32
      %cond3A_20 = arith.cmpi ne, %convert_element_type3A, %cond3A : i32
      scf.if %cond3A_20 {
        %mul3A_21 = arith.constant 128 : i32
        %mul3A_22 = arith.muli %add3A_18, %mul3A_21 : i32
        "tpu.region"() ({
          %run_scoped3A = tpu.sem_alloc : memref<!tpu.dma_semaphore, #tpu.memory_space<semaphore_mem>>
          %dma_start3A_27 = tpu.memref_slice %arg3[%mul3A_22] : memref<800000xi32, #tpu.memory_space<hbm>> -> memref<128xi32, #tpu.memory_space<hbm>>
          %dma_start3A_28 = tpu.memref_slice %arg3[%mul3A_22] : memref<800000xi32, #tpu.memory_space<hbm>> -> memref<128xi32, #tpu.memory_space<hbm>>
          tpu.enqueue_dma source(%dma_start3A_28 : memref<128xi32, #tpu.memory_space<hbm>>) target(%arg9 : memref<128xi32, #tpu.memory_space<vmem>>) target_semaphore(%run_scoped3A : memref<!tpu.dma_semaphore, #tpu.memory_space<semaphore_mem>>)
          %dma_wait3A_29 = tpu.memref_slice %arg3[%mul3A_22] : memref<800000xi32, #tpu.memory_space<hbm>> -> memref<128xi32, #tpu.memory_space<hbm>>
          %dma_wait3A_30 = tpu.memref_slice %arg3[%mul3A_22] : memref<800000xi32, #tpu.memory_space<hbm>> -> memref<128xi32, #tpu.memory_space<hbm>>
          tpu.wait_dma2 semaphore(%run_scoped3A : memref<!tpu.dma_semaphore, #tpu.memory_space<semaphore_mem>>) src(%dma_wait3A_30 : memref<128xi32, #tpu.memory_space<hbm>>) dst(%arg9 : memref<128xi32, #tpu.memory_space<vmem>>)
          tpu.yield
        }) : () -> ()
        %dma_start3A = arith.constant 0 : i32
        %dma_start3A_23 = arith.constant 0 : i32
        %dma_start3A_24 = tpu.memref_slice %arg2[%dma_start3A, %dma_start3A_23] : memref<50000x64xf32, #tpu.memory_space<hbm>> -> memref<50000x64xf32, #tpu.memory_space<hbm>>
        tpu.enqueue_indirect_dma source(%dma_start3A_24 : memref<50000x64xf32, #tpu.memory_space<hbm>>) target(%arg11 : memref<128x64xf32, #tpu.memory_space<vmem>>) offsets(%arg9 : memref<128xi32, #tpu.memory_space<vmem>>) semaphore(%arg15 : memref<!tpu.dma_semaphore, #tpu.memory_space<semaphore_mem>>)
        %dma_wait3A = arith.constant 0 : i32
        %dma_wait3A_25 = arith.constant 0 : i32
        %dma_wait3A_26 = tpu.memref_slice %arg2[%dma_wait3A, %dma_wait3A_25] : memref<50000x64xf32, #tpu.memory_space<hbm>> -> memref<50000x64xf32, #tpu.memory_space<hbm>>
        tpu.wait_indirect_dma semaphore(%arg15 : memref<!tpu.dma_semaphore, #tpu.memory_space<semaphore_mem>>) src(%dma_wait3A_26 : memref<50000x64xf32, #tpu.memory_space<hbm>>) dst(%arg11 : memref<128x64xf32, #tpu.memory_space<vmem>>)
        "tpu.region"() ({
          %run_scoped3A = tpu.sem_alloc : memref<!tpu.dma_semaphore, #tpu.memory_space<semaphore_mem>>
          %dma_start3A_27 = tpu.memref_slice %arg4[%mul3A_22] : memref<800000xi32, #tpu.memory_space<hbm>> -> memref<128xi32, #tpu.memory_space<hbm>>
          %dma_start3A_28 = tpu.memref_slice %arg4[%mul3A_22] : memref<800000xi32, #tpu.memory_space<hbm>> -> memref<128xi32, #tpu.memory_space<hbm>>
          tpu.enqueue_dma source(%dma_start3A_28 : memref<128xi32, #tpu.memory_space<hbm>>) target(%arg10 : memref<128xi32, #tpu.memory_space<vmem>>) target_semaphore(%run_scoped3A : memref<!tpu.dma_semaphore, #tpu.memory_space<semaphore_mem>>)
          %dma_wait3A_29 = tpu.memref_slice %arg4[%mul3A_22] : memref<800000xi32, #tpu.memory_space<hbm>> -> memref<128xi32, #tpu.memory_space<hbm>>
          %dma_wait3A_30 = tpu.memref_slice %arg4[%mul3A_22] : memref<800000xi32, #tpu.memory_space<hbm>> -> memref<128xi32, #tpu.memory_space<hbm>>
          tpu.wait_dma2 semaphore(%run_scoped3A : memref<!tpu.dma_semaphore, #tpu.memory_space<semaphore_mem>>) src(%dma_wait3A_30 : memref<128xi32, #tpu.memory_space<hbm>>) dst(%arg10 : memref<128xi32, #tpu.memory_space<vmem>>)
          tpu.yield
        }) : () -> ()
        "tpu.region"() ({
          %run_scoped3A = tpu.sem_alloc : memref<!tpu.dma_semaphore, #tpu.memory_space<semaphore_mem>>
          %dma_start3A_27 = arith.constant 0 : i32
          %dma_start3A_28 = arith.constant 0 : i32
          %dma_start3A_29 = tpu.memref_slice %arg13[%dma_start3A_27, %dma_start3A_28] : memref<10240x64xf32, #tpu.memory_space<vmem_shared>> -> memref<10240x64xf32, #tpu.memory_space<vmem_shared>>
          tpu.enqueue_indirect_dma source(%arg11 : memref<128x64xf32, #tpu.memory_space<vmem>>) target(%dma_start3A_29 : memref<10240x64xf32, #tpu.memory_space<vmem_shared>>) offsets(%arg10 : memref<128xi32, #tpu.memory_space<vmem>>) semaphore(%run_scoped3A : memref<!tpu.dma_semaphore, #tpu.memory_space<semaphore_mem>>) {add = true}
          %dma_wait3A_30 = arith.constant 0 : i32
          %dma_wait3A_31 = arith.constant 0 : i32
          %dma_wait3A_32 = tpu.memref_slice %arg13[%dma_wait3A_30, %dma_wait3A_31] : memref<10240x64xf32, #tpu.memory_space<vmem_shared>> -> memref<10240x64xf32, #tpu.memory_space<vmem_shared>>
          tpu.wait_indirect_dma semaphore(%run_scoped3A : memref<!tpu.dma_semaphore, #tpu.memory_space<semaphore_mem>>) src(%arg11 : memref<128x64xf32, #tpu.memory_space<vmem>>) dst(%dma_wait3A_32 : memref<10240x64xf32, #tpu.memory_space<vmem_shared>>)
          tpu.yield
        }) : () -> ()
      } else {
      }
    }
    %scan3A_9 = arith.constant 196 : i32
    %barrier3A_10 = arith.constant 0 : index
    tpu.barrier barrier_id(%barrier3A_10)
    %mul3A_11 = arith.constant 640 : i32
    %mul3A_12 = arith.muli %arg1, %mul3A_11 : i32
    %mul3A_13 = arith.constant 640 : i32
    %mul3A_14 = arith.muli %arg1, %mul3A_13 : i32
    "tpu.region"() ({
      %run_scoped3A = tpu.sem_alloc : memref<!tpu.dma_semaphore, #tpu.memory_space<semaphore_mem>>
      %dma_start3A = arith.constant 0 : i32
      %dma_start3A_15 = tpu.memref_slice %arg8[%arg0, %mul3A_14, %dma_start3A] : memref<2x10240x64xf32, #tpu.memory_space<hbm>> -> memref<1x640x64xf32, #tpu.memory_space<hbm>>
      %dma_start3A_16 = tpu.memref_squeeze %dma_start3A_15 : memref<1x640x64xf32, #tpu.memory_space<hbm>> -> memref<640x64xf32, #tpu.memory_space<hbm>>
      %dma_start3A_17 = arith.constant 0 : i32
      %dma_start3A_18 = tpu.memref_slice %arg13[%mul3A_12, %dma_start3A_17] : memref<10240x64xf32, #tpu.memory_space<vmem_shared>> -> memref<640x64xf32, #tpu.memory_space<vmem_shared>>
      tpu.enqueue_dma source(%dma_start3A_18 : memref<640x64xf32, #tpu.memory_space<vmem_shared>>) target(%dma_start3A_16 : memref<640x64xf32, #tpu.memory_space<hbm>>) target_semaphore(%run_scoped3A : memref<!tpu.dma_semaphore, #tpu.memory_space<semaphore_mem>>)
      %dma_wait3A = arith.constant 0 : i32
      %dma_wait3A_19 = tpu.memref_slice %arg8[%arg0, %mul3A_14, %dma_wait3A] : memref<2x10240x64xf32, #tpu.memory_space<hbm>> -> memref<1x640x64xf32, #tpu.memory_space<hbm>>
      %dma_wait3A_20 = tpu.memref_squeeze %dma_wait3A_19 : memref<1x640x64xf32, #tpu.memory_space<hbm>> -> memref<640x64xf32, #tpu.memory_space<hbm>>
      %dma_wait3A_21 = arith.constant 0 : i32
      %dma_wait3A_22 = tpu.memref_slice %arg13[%mul3A_12, %dma_wait3A_21] : memref<10240x64xf32, #tpu.memory_space<vmem_shared>> -> memref<640x64xf32, #tpu.memory_space<vmem_shared>>
      tpu.wait_dma2 semaphore(%run_scoped3A : memref<!tpu.dma_semaphore, #tpu.memory_space<semaphore_mem>>) src(%dma_wait3A_22 : memref<640x64xf32, #tpu.memory_space<vmem_shared>>) dst(%dma_wait3A_20 : memref<640x64xf32, #tpu.memory_space<hbm>>)
      tpu.yield
    }) : () -> ()
    return
  }
}

module attributes {stable_mosaic.version = 14 : i64} {
  func.func @body(%arg0: i32, %arg1: memref<400x128xf32, #tpu.memory_space<vmem>>, %arg2: memref<128x64xf32, #tpu.memory_space<vmem>>, %arg3: memref<1x64xf32, #tpu.memory_space<vmem>>, %arg4: memref<400x64xf32, #tpu.memory_space<vmem>>) attributes {dimension_semantics = [#tpu.dimension_semantics<arbitrary>], iteration_bounds = array<i64: 25>, scalar_prefetch = 0 : i64, scratch_operands = 0 : i64, tpu.core_type = #tpu.core_type<tc>, window_params = [{transform_indices = @transform_0, window_bounds = array<i64: 400, 128>}, {pipeline_mode = #tpu.pipeline_mode<synchronous>, transform_indices = @transform_1, window_bounds = array<i64: 128, 64>}, {pipeline_mode = #tpu.pipeline_mode<synchronous>, transform_indices = @transform_2, window_bounds = array<i64: 1, 64>}, {transform_indices = @transform_3, window_bounds = array<i64: 400, 64>}]} {
    %get3A = arith.constant 0 : index
    %get3A_0 = arith.constant 0 : index
    %get3A_1 = vector.load %arg1[%get3A, %get3A_0] : memref<400x128xf32, #tpu.memory_space<vmem>>, vector<400x128xf32>
    %get3A_2 = arith.constant 0 : index
    %get3A_3 = arith.constant 0 : index
    %get3A_4 = vector.load %arg2[%get3A_2, %get3A_3] : memref<128x64xf32, #tpu.memory_space<vmem>>, vector<128x64xf32>
    %dot_general3A = arith.constant dense<0.000000e+00> : vector<400x64xf32>
    %dot_general3A_5 = tpu.matmul %get3A_1, %get3A_4, %dot_general3A {dimension_numbers = #tpu.dot_dimension_numbers<[1], [0], [0], [1], [0, 0, 1, 1], [], []>, transpose_lhs_hint = false} : vector<400x128xf32>, vector<128x64xf32>, vector<400x64xf32> -> vector<400x64xf32>
    %get3A_6 = arith.constant 0 : index
    %get3A_7 = arith.constant 0 : index
    %get3A_8 = vector.load %arg3[%get3A_6, %get3A_7] : memref<1x64xf32, #tpu.memory_space<vmem>>, vector<1x64xf32>
    %add3A = vector.broadcast %get3A_8 : vector<1x64xf32> to vector<400x64xf32>
    %add3A_9 = arith.addf %dot_general3A_5, %add3A : vector<400x64xf32>
    %swap3A = arith.constant 0 : index
    %swap3A_10 = arith.constant 0 : index
    %swap3A_11 = vector.load %arg4[%swap3A, %swap3A_10] : memref<400x64xf32, #tpu.memory_space<vmem>>, vector<400x64xf32>
    tpu.vector_store %arg4[%swap3A, %swap3A_10], %add3A_9 {strides = array<i32>} : memref<400x64xf32, #tpu.memory_space<vmem>>, vector<400x64xf32>,
    return
  }
  func.func @transform_0(%arg0: i32) -> (i32, i32) {
    %c0_i32 = arith.constant 0 : i32
    %c0_i32_0 = arith.constant 0 : i32
    return %arg0, %c0_i32 : i32, i32
  }
  func.func @transform_1(%arg0: i32) -> (i32, i32) {
    %c0_i32 = arith.constant 0 : i32
    %c0_i32_0 = arith.constant 0 : i32
    %c0_i32_1 = arith.constant 0 : i32
    return %c0_i32, %c0_i32_0 : i32, i32
  }
  func.func @transform_2(%arg0: i32) -> (i32, i32) {
    %c0_i32 = arith.constant 0 : i32
    %c0_i32_0 = arith.constant 0 : i32
    %c0_i32_1 = arith.constant 0 : i32
    return %c0_i32, %c0_i32_0 : i32, i32
  }
  func.func @transform_3(%arg0: i32) -> (i32, i32) {
    %c0_i32 = arith.constant 0 : i32
    %c0_i32_0 = arith.constant 0 : i32
    return %arg0, %c0_i32 : i32, i32
  }
}

module attributes {stable_mosaic.version = 14 : i64} {
  func.func @body(%arg0: i32, %arg1: memref<400x128xf32, #tpu.memory_space<vmem>>, %arg2: memref<128x64xf32, #tpu.memory_space<vmem>>, %arg3: memref<1x64xf32, #tpu.memory_space<vmem>>, %arg4: memref<400x64xf32, #tpu.memory_space<vmem>>) attributes {dimension_semantics = [#tpu.dimension_semantics<arbitrary>], iteration_bounds = array<i64: 125>, scalar_prefetch = 0 : i64, scratch_operands = 0 : i64, tpu.core_type = #tpu.core_type<tc>, window_params = [{transform_indices = @transform_0, window_bounds = array<i64: 400, 128>}, {pipeline_mode = #tpu.pipeline_mode<synchronous>, transform_indices = @transform_1, window_bounds = array<i64: 128, 64>}, {pipeline_mode = #tpu.pipeline_mode<synchronous>, transform_indices = @transform_2, window_bounds = array<i64: 1, 64>}, {transform_indices = @transform_3, window_bounds = array<i64: 400, 64>}]} {
    %get3A = arith.constant 0 : index
    %get3A_0 = arith.constant 0 : index
    %get3A_1 = vector.load %arg1[%get3A, %get3A_0] : memref<400x128xf32, #tpu.memory_space<vmem>>, vector<400x128xf32>
    %get3A_2 = arith.constant 0 : index
    %get3A_3 = arith.constant 0 : index
    %get3A_4 = vector.load %arg2[%get3A_2, %get3A_3] : memref<128x64xf32, #tpu.memory_space<vmem>>, vector<128x64xf32>
    %dot_general3A = arith.constant dense<0.000000e+00> : vector<400x64xf32>
    %dot_general3A_5 = tpu.matmul %get3A_1, %get3A_4, %dot_general3A {dimension_numbers = #tpu.dot_dimension_numbers<[1], [0], [0], [1], [0, 0, 1, 1], [], []>, transpose_lhs_hint = false} : vector<400x128xf32>, vector<128x64xf32>, vector<400x64xf32> -> vector<400x64xf32>
    %get3A_6 = arith.constant 0 : index
    %get3A_7 = arith.constant 0 : index
    %get3A_8 = vector.load %arg3[%get3A_6, %get3A_7] : memref<1x64xf32, #tpu.memory_space<vmem>>, vector<1x64xf32>
    %add3A = vector.broadcast %get3A_8 : vector<1x64xf32> to vector<400x64xf32>
    %add3A_9 = arith.addf %dot_general3A_5, %add3A : vector<400x64xf32>
    %swap3A = arith.constant 0 : index
    %swap3A_10 = arith.constant 0 : index
    %swap3A_11 = vector.load %arg4[%swap3A, %swap3A_10] : memref<400x64xf32, #tpu.memory_space<vmem>>, vector<400x64xf32>
    tpu.vector_store %arg4[%swap3A, %swap3A_10], %add3A_9 {strides = array<i32>} : memref<400x64xf32, #tpu.memory_space<vmem>>, vector<400x64xf32>,
    return
  }
  func.func @transform_0(%arg0: i32) -> (i32, i32) {
    %c0_i32 = arith.constant 0 : i32
    %c0_i32_0 = arith.constant 0 : i32
    return %arg0, %c0_i32 : i32, i32
  }
  func.func @transform_1(%arg0: i32) -> (i32, i32) {
    %c0_i32 = arith.constant 0 : i32
    %c0_i32_0 = arith.constant 0 : i32
    %c0_i32_1 = arith.constant 0 : i32
    return %c0_i32, %c0_i32_0 : i32, i32
  }
  func.func @transform_2(%arg0: i32) -> (i32, i32) {
    %c0_i32 = arith.constant 0 : i32
    %c0_i32_0 = arith.constant 0 : i32
    %c0_i32_1 = arith.constant 0 : i32
    return %c0_i32, %c0_i32_0 : i32, i32
  }
  func.func @transform_3(%arg0: i32) -> (i32, i32) {
    %c0_i32 = arith.constant 0 : i32
    %c0_i32_0 = arith.constant 0 : i32
    return %arg0, %c0_i32 : i32, i32
  }
}

module attributes {stable_mosaic.version = 14 : i64} {
  func.func @body(%arg0: i32, %arg1: memref<400x64xf32, #tpu.memory_space<vmem>>, %arg2: memref<400x8xf32, #tpu.memory_space<vmem>>, %arg3: memref<400x64xf32, #tpu.memory_space<vmem>>, %arg4: memref<64x64xf32, #tpu.memory_space<vmem>>, %arg5: memref<1x64xf32, #tpu.memory_space<vmem>>, %arg6: memref<64x64xf32, #tpu.memory_space<vmem>>, %arg7: memref<400x64xf32, #tpu.memory_space<vmem>>) attributes {dimension_semantics = [#tpu.dimension_semantics<arbitrary>], iteration_bounds = array<i64: 125>, scalar_prefetch = 0 : i64, scratch_operands = 0 : i64, tpu.core_type = #tpu.core_type<tc>, window_params = [{transform_indices = @transform_0, window_bounds = array<i64: 400, 64>}, {transform_indices = @transform_1, window_bounds = array<i64: 400, 8>}, {transform_indices = @transform_2, window_bounds = array<i64: 400, 64>}, {pipeline_mode = #tpu.pipeline_mode<synchronous>, transform_indices = @transform_3, window_bounds = array<i64: 64, 64>}, {pipeline_mode = #tpu.pipeline_mode<synchronous>, transform_indices = @transform_4, window_bounds = array<i64: 1, 64>}, {pipeline_mode = #tpu.pipeline_mode<synchronous>, transform_indices = @transform_5, window_bounds = array<i64: 64, 64>}, {transform_indices = @transform_6, window_bounds = array<i64: 400, 64>}]} {
    %get3A = arith.constant 0 : index
    %get3A_0 = arith.constant 0 : index
    %get3A_1 = vector.load %arg2[%get3A, %get3A_0] : memref<400x8xf32, #tpu.memory_space<vmem>>, vector<400x8xf32>
    %slice3A = vector.extract_strided_slice %get3A_1 {offsets = [0, 0], sizes = [400, 1], strides = [1, 1]} : vector<400x8xf32> to vector<400x1xf32>
    %get3A_2 = arith.constant 0 : index
    %get3A_3 = arith.constant 0 : index
    %get3A_4 = vector.load %arg1[%get3A_2, %get3A_3] : memref<400x64xf32, #tpu.memory_space<vmem>>, vector<400x64xf32>
    %max3A = arith.constant 1.000000e+00 : f32
    %max3A_5 = vector.broadcast %max3A : f32 to vector<400x1xf32>
    %max3A_6 = arith.maximumf %slice3A, %max3A_5 : vector<400x1xf32>
    %div3A = vector.broadcast %max3A_6 : vector<400x1xf32> to vector<400x64xf32>
    %div3A_7 = arith.divf %get3A_4, %div3A : vector<400x64xf32>
    %get3A_8 = arith.constant 0 : index
    %get3A_9 = arith.constant 0 : index
    %get3A_10 = vector.load %arg4[%get3A_8, %get3A_9] : memref<64x64xf32, #tpu.memory_space<vmem>>, vector<64x64xf32>
    %dot_general3A = arith.constant dense<0.000000e+00> : vector<400x64xf32>
    %dot_general3A_11 = tpu.matmul %div3A_7, %get3A_10, %dot_general3A {dimension_numbers = #tpu.dot_dimension_numbers<[1], [0], [0], [1], [0, 0, 1, 1], [], []>, transpose_lhs_hint = false} : vector<400x64xf32>, vector<64x64xf32>, vector<400x64xf32> -> vector<400x64xf32>
    %get3A_12 = arith.constant 0 : index
    %get3A_13 = arith.constant 0 : index
    %get3A_14 = vector.load %arg3[%get3A_12, %get3A_13] : memref<400x64xf32, #tpu.memory_space<vmem>>, vector<400x64xf32>
    %get3A_15 = arith.constant 0 : index
    %get3A_16 = arith.constant 0 : index
    %get3A_17 = vector.load %arg6[%get3A_15, %get3A_16] : memref<64x64xf32, #tpu.memory_space<vmem>>, vector<64x64xf32>
    %dot_general3A_18 = arith.constant dense<0.000000e+00> : vector<400x64xf32>
    %dot_general3A_19 = tpu.matmul %get3A_14, %get3A_17, %dot_general3A_18 {dimension_numbers = #tpu.dot_dimension_numbers<[1], [0], [0], [1], [0, 0, 1, 1], [], []>, transpose_lhs_hint = false} : vector<400x64xf32>, vector<64x64xf32>, vector<400x64xf32> -> vector<400x64xf32>
    %add3A = arith.addf %dot_general3A_11, %dot_general3A_19 : vector<400x64xf32>
    %get3A_20 = arith.constant 0 : index
    %get3A_21 = arith.constant 0 : index
    %get3A_22 = vector.load %arg5[%get3A_20, %get3A_21] : memref<1x64xf32, #tpu.memory_space<vmem>>, vector<1x64xf32>
    %add3A_23 = vector.broadcast %get3A_22 : vector<1x64xf32> to vector<400x64xf32>
    %add3A_24 = arith.addf %add3A, %add3A_23 : vector<400x64xf32>
    %max3A_25 = arith.constant 0.000000e+00 : f32
    %max3A_26 = vector.broadcast %max3A_25 : f32 to vector<400x64xf32>
    %max3A_27 = arith.maximumf %add3A_24, %max3A_26 : vector<400x64xf32>
    %swap3A = arith.constant 0 : index
    %swap3A_28 = arith.constant 0 : index
    %swap3A_29 = vector.load %arg7[%swap3A, %swap3A_28] : memref<400x64xf32, #tpu.memory_space<vmem>>, vector<400x64xf32>
    tpu.vector_store %arg7[%swap3A, %swap3A_28], %max3A_27 {strides = array<i32>} : memref<400x64xf32, #tpu.memory_space<vmem>>, vector<400x64xf32>,
    return
  }
  func.func @transform_0(%arg0: i32) -> (i32, i32) {
    %c0_i32 = arith.constant 0 : i32
    %c0_i32_0 = arith.constant 0 : i32
    return %arg0, %c0_i32 : i32, i32
  }
  func.func @transform_1(%arg0: i32) -> (i32, i32) {
    %c0_i32 = arith.constant 0 : i32
    %c0_i32_0 = arith.constant 0 : i32
    return %arg0, %c0_i32 : i32, i32
  }
  func.func @transform_2(%arg0: i32) -> (i32, i32) {
    %c0_i32 = arith.constant 0 : i32
    %c0_i32_0 = arith.constant 0 : i32
    return %arg0, %c0_i32 : i32, i32
  }
  func.func @transform_3(%arg0: i32) -> (i32, i32) {
    %c0_i32 = arith.constant 0 : i32
    %c0_i32_0 = arith.constant 0 : i32
    %c0_i32_1 = arith.constant 0 : i32
    return %c0_i32, %c0_i32_0 : i32, i32
  }
  func.func @transform_4(%arg0: i32) -> (i32, i32) {
    %c0_i32 = arith.constant 0 : i32
    %c0_i32_0 = arith.constant 0 : i32
    %c0_i32_1 = arith.constant 0 : i32
    return %c0_i32, %c0_i32_0 : i32, i32
  }
  func.func @transform_5(%arg0: i32) -> (i32, i32) {
    %c0_i32 = arith.constant 0 : i32
    %c0_i32_0 = arith.constant 0 : i32
    %c0_i32_1 = arith.constant 0 : i32
    return %c0_i32, %c0_i32_0 : i32, i32
  }
  func.func @transform_6(%arg0: i32) -> (i32, i32) {
    %c0_i32 = arith.constant 0 : i32
    %c0_i32_0 = arith.constant 0 : i32
    return %arg0, %c0_i32 : i32, i32
  }
}

module attributes {stable_mosaic.version = 14 : i64} {
  func.func @body(%arg0: i32, %arg1: memref<400x64xf32, #tpu.memory_space<vmem>>, %arg2: memref<400x64xf32, #tpu.memory_space<vmem>>, %arg3: memref<400x8xf32, #tpu.memory_space<vmem>>, %arg4: memref<400x8xf32, #tpu.memory_space<vmem>>, %arg5: memref<400x64xf32, #tpu.memory_space<vmem>>, %arg6: memref<64x64xf32, #tpu.memory_space<vmem>>, %arg7: memref<1x64xf32, #tpu.memory_space<vmem>>, %arg8: memref<64x64xf32, #tpu.memory_space<vmem>>, %arg9: memref<400x64xf32, #tpu.memory_space<vmem>>) attributes {dimension_semantics = [#tpu.dimension_semantics<arbitrary>], iteration_bounds = array<i64: 25>, scalar_prefetch = 0 : i64, scratch_operands = 0 : i64, tpu.core_type = #tpu.core_type<tc>, window_params = [{transform_indices = @transform_0, window_bounds = array<i64: 400, 64>}, {transform_indices = @transform_1, window_bounds = array<i64: 400, 64>}, {transform_indices = @transform_2, window_bounds = array<i64: 400, 8>}, {transform_indices = @transform_3, window_bounds = array<i64: 400, 8>}, {transform_indices = @transform_4, window_bounds = array<i64: 400, 64>}, {pipeline_mode = #tpu.pipeline_mode<synchronous>, transform_indices = @transform_5, window_bounds = array<i64: 64, 64>}, {pipeline_mode = #tpu.pipeline_mode<synchronous>, transform_indices = @transform_6, window_bounds = array<i64: 1, 64>}, {pipeline_mode = #tpu.pipeline_mode<synchronous>, transform_indices = @transform_7, window_bounds = array<i64: 64, 64>}, {transform_indices = @transform_8, window_bounds = array<i64: 400, 64>}]} {
    %get3A = arith.constant 0 : index
    %get3A_0 = arith.constant 0 : index
    %get3A_1 = vector.load %arg3[%get3A, %get3A_0] : memref<400x8xf32, #tpu.memory_space<vmem>>, vector<400x8xf32>
    %slice3A = vector.extract_strided_slice %get3A_1 {offsets = [0, 0], sizes = [400, 1], strides = [1, 1]} : vector<400x8xf32> to vector<400x1xf32>
    %get3A_2 = arith.constant 0 : index
    %get3A_3 = arith.constant 0 : index
    %get3A_4 = vector.load %arg4[%get3A_2, %get3A_3] : memref<400x8xf32, #tpu.memory_space<vmem>>, vector<400x8xf32>
    %slice3A_5 = vector.extract_strided_slice %get3A_4 {offsets = [0, 0], sizes = [400, 1], strides = [1, 1]} : vector<400x8xf32> to vector<400x1xf32>
    %add3A = arith.addf %slice3A, %slice3A_5 : vector<400x1xf32>
    %get3A_6 = arith.constant 0 : index
    %get3A_7 = arith.constant 0 : index
    %get3A_8 = vector.load %arg1[%get3A_6, %get3A_7] : memref<400x64xf32, #tpu.memory_space<vmem>>, vector<400x64xf32>
    %get3A_9 = arith.constant 0 : index
    %get3A_10 = arith.constant 0 : index
    %get3A_11 = vector.load %arg2[%get3A_9, %get3A_10] : memref<400x64xf32, #tpu.memory_space<vmem>>, vector<400x64xf32>
    %add3A_12 = arith.addf %get3A_8, %get3A_11 : vector<400x64xf32>
    %max3A = arith.constant 1.000000e+00 : f32
    %max3A_13 = vector.broadcast %max3A : f32 to vector<400x1xf32>
    %max3A_14 = arith.maximumf %add3A, %max3A_13 : vector<400x1xf32>
    %div3A = vector.broadcast %max3A_14 : vector<400x1xf32> to vector<400x64xf32>
    %div3A_15 = arith.divf %add3A_12, %div3A : vector<400x64xf32>
    %get3A_16 = arith.constant 0 : index
    %get3A_17 = arith.constant 0 : index
    %get3A_18 = vector.load %arg6[%get3A_16, %get3A_17] : memref<64x64xf32, #tpu.memory_space<vmem>>, vector<64x64xf32>
    %dot_general3A = arith.constant dense<0.000000e+00> : vector<400x64xf32>
    %dot_general3A_19 = tpu.matmul %div3A_15, %get3A_18, %dot_general3A {dimension_numbers = #tpu.dot_dimension_numbers<[1], [0], [0], [1], [0, 0, 1, 1], [], []>, transpose_lhs_hint = false} : vector<400x64xf32>, vector<64x64xf32>, vector<400x64xf32> -> vector<400x64xf32>
    %get3A_20 = arith.constant 0 : index
    %get3A_21 = arith.constant 0 : index
    %get3A_22 = vector.load %arg5[%get3A_20, %get3A_21] : memref<400x64xf32, #tpu.memory_space<vmem>>, vector<400x64xf32>
    %get3A_23 = arith.constant 0 : index
    %get3A_24 = arith.constant 0 : index
    %get3A_25 = vector.load %arg8[%get3A_23, %get3A_24] : memref<64x64xf32, #tpu.memory_space<vmem>>, vector<64x64xf32>
    %dot_general3A_26 = arith.constant dense<0.000000e+00> : vector<400x64xf32>
    %dot_general3A_27 = tpu.matmul %get3A_22, %get3A_25, %dot_general3A_26 {dimension_numbers = #tpu.dot_dimension_numbers<[1], [0], [0], [1], [0, 0, 1, 1], [], []>, transpose_lhs_hint = false} : vector<400x64xf32>, vector<64x64xf32>, vector<400x64xf32> -> vector<400x64xf32>
    %add3A_28 = arith.addf %dot_general3A_19, %dot_general3A_27 : vector<400x64xf32>
    %get3A_29 = arith.constant 0 : index
    %get3A_30 = arith.constant 0 : index
    %get3A_31 = vector.load %arg7[%get3A_29, %get3A_30] : memref<1x64xf32, #tpu.memory_space<vmem>>, vector<1x64xf32>
    %add3A_32 = vector.broadcast %get3A_31 : vector<1x64xf32> to vector<400x64xf32>
    %add3A_33 = arith.addf %add3A_28, %add3A_32 : vector<400x64xf32>
    %max3A_34 = arith.constant 0.000000e+00 : f32
    %max3A_35 = vector.broadcast %max3A_34 : f32 to vector<400x64xf32>
    %max3A_36 = arith.maximumf %add3A_33, %max3A_35 : vector<400x64xf32>
    %swap3A = arith.constant 0 : index
    %swap3A_37 = arith.constant 0 : index
    %swap3A_38 = vector.load %arg9[%swap3A, %swap3A_37] : memref<400x64xf32, #tpu.memory_space<vmem>>, vector<400x64xf32>
    tpu.vector_store %arg9[%swap3A, %swap3A_37], %max3A_36 {strides = array<i32>} : memref<400x64xf32, #tpu.memory_space<vmem>>, vector<400x64xf32>,
    return
  }
  func.func @transform_0(%arg0: i32) -> (i32, i32) {
    %c0_i32 = arith.constant 0 : i32
    %c0_i32_0 = arith.constant 0 : i32
    return %arg0, %c0_i32 : i32, i32
  }
  func.func @transform_1(%arg0: i32) -> (i32, i32) {
    %c0_i32 = arith.constant 0 : i32
    %c0_i32_0 = arith.constant 0 : i32
    return %arg0, %c0_i32 : i32, i32
  }
  func.func @transform_2(%arg0: i32) -> (i32, i32) {
    %c0_i32 = arith.constant 0 : i32
    %c0_i32_0 = arith.constant 0 : i32
    return %arg0, %c0_i32 : i32, i32
  }
  func.func @transform_3(%arg0: i32) -> (i32, i32) {
    %c0_i32 = arith.constant 0 : i32
    %c0_i32_0 = arith.constant 0 : i32
    return %arg0, %c0_i32 : i32, i32
  }
  func.func @transform_4(%arg0: i32) -> (i32, i32) {
    %c0_i32 = arith.constant 0 : i32
    %c0_i32_0 = arith.constant 0 : i32
    return %arg0, %c0_i32 : i32, i32
  }
  func.func @transform_5(%arg0: i32) -> (i32, i32) {
    %c0_i32 = arith.constant 0 : i32
    %c0_i32_0 = arith.constant 0 : i32
    %c0_i32_1 = arith.constant 0 : i32
    return %c0_i32, %c0_i32_0 : i32, i32
  }
  func.func @transform_6(%arg0: i32) -> (i32, i32) {
    %c0_i32 = arith.constant 0 : i32
    %c0_i32_0 = arith.constant 0 : i32
    %c0_i32_1 = arith.constant 0 : i32
    return %c0_i32, %c0_i32_0 : i32, i32
  }
  func.func @transform_7(%arg0: i32) -> (i32, i32) {
    %c0_i32 = arith.constant 0 : i32
    %c0_i32_0 = arith.constant 0 : i32
    %c0_i32_1 = arith.constant 0 : i32
    return %c0_i32, %c0_i32_0 : i32, i32
  }
  func.func @transform_8(%arg0: i32) -> (i32, i32) {
    %c0_i32 = arith.constant 0 : i32
    %c0_i32_0 = arith.constant 0 : i32
    return %arg0, %c0_i32 : i32, i32
  }
}

</mosaic_0001>

<sc_bundles>
// kernel: kernel.12.cloned.1.call-start
scs
__scs_entry_jumppad:
0x0: {  	(pc) =	sbr.rel $0x88, $3  }
0x1: {  	(tag) =	ssettag $0x0;
	lr =	simm.s32 $0x1  }
0x2: {  	[smem:$0x3F8D] =	sst lr;
	_ =	strace $0xD0000000  }
0x3: {  	_ = 	snop  }
0x4: {  	_ = 	snop  }
0x5: {  	_ = 	snop  }
0x6: {  	_ = 	snop  }
0x7: {  	_ = 	snop  }
__scs_overlays_trampoline_lowered:
0x8: {  	[smem:$0x3F9C] =	sst s0  }
0x9: {  	[smem:$0x3F9D] =	sst s1  }
0xa: {  	[smem:$0x3F9E] =	sst s2  }
0xb: {  	[smem:$0x3F9F] =	sst s3  }
0xc: {  	[smem:$0x3FA0] =	sst s4  }
0xd: {  	[smem:$0x3FA1] =	sst s5  }
0xe: {  	[smem:$0x3FA2] =	sst s6  }
0xf: {  	[smem:$0x3FA3] =	sst s7  }
0x10: {  	[smem:$0x3FA4] =	sst s8  }
0x11: {  	[smem:$0x3FA5] =	sst s9;
	s0 =	simm.s32 @!p0 $0x0  }
0x12: {  	s1 =	sld [smem:$0x3F8B];
	s0 =	simm.s32 @p0 $0x1  }
0x13: {  	[smem:$0x3FA6] =	sst s0;
	s0 =	simm.s32 @!p1 $0x0  }
0x14: {  	s2 =	sld [smem:$0x3F8A];
	s0 =	simm.s32 @p1 $0x1  }
0x15: {  	[smem:$0x3FA7] =	sst s0;
	s0 =	simm.s32 @!p2 $0x0  }
0x16: {  	s3 =	sld [smem:$0x3FDB];
	s0 =	simm.s32 @p2 $0x1  }
0x17: {  	s4 =	simm.s32 $0x1BF5;
	[smem:$0x3FA9] =	sst s0  }
0x18: {  	s0 =	sld [smem:$0x3F8C];
	_ =	swait.ge [sflag:s4], $0x0  }
0x19: {  	s7 =	sld [smem:$0x3F8D]  }
0x1a: {  	s8 =	sadd.s32 $0xFFFFE003, lr  }
0x1b: {  	s9 =	sadd.s32 $0xFFFFFEF7, lr;
	s5 =	simm.s32 $0xFFFFFFFF;
	p2 =	slt.u32 s8, $0xFFFFF086  }
0x1c: {  	p1 =	slt.u32 s9, $0xF7A;
	s5 =	simm.s32 @!p2 $0x0  }
0x1d: {  	s5 =	simm.s32 @p1 $0x1;
	p0 =	seq.s32 s7, s2  }
0x1e: {  	s7 =	smul.u32 @!p0 $0xF7A, s2;
	p2 =	seq.s32 @!p0 s5, $0x0  }
0x1f: {  	s9 =	smul.u32 $0xF7A, s1;
	s8 =	simm.s32 @!p0 $0x1BF5;
	p2 =	por !p2, p0  }
0x20: {  	[sflag:s8] =	ssyncset.s32 @!p0 $0xFFFFF086;
	s6 =	sadd.s32 @!p0 s3, s7;
	s7 =	simm.s32 @!p0 $0x108  }
0x21: {  	s3 =	sadd.s32 s3, s9;
	s6 =	sadd.s32 @!p0 $0x88, s6;
	s7 =	simm.s32 @p2 $0x1082  }
0x22: {  	[simem:s7], [sflag:s8] =	dma.local @!p0 [hbm:s6], $0xF7A  }
0x23: {  	s9 =	sor.u32 $0xD0000000, s2;
	s6 =	simm.s32 $0x108;
	_ =	swait.ge @!p0 [sflag:s8], $0x0  }
0x24: {  	s3 =	sadd.s32 $0x88, s3;
	s6 =	simm.s32 @!p1 $0x1082;
	[sflag:s4] =	ssyncset.s32 $0xFFFFF086  }
0x25: {  	[simem:s6], [sflag:s4] =	dma.local [hbm:s3], $0xF7A  }
0x26: {  	[smem:$0x3F8D] =	sst s1;
	(tag) =	ssettag s2;
	_ =	strace s9  }
0x27: {  	s1 =	sld [smem:$0x3F9D]  }
0x28: {  	s2 =	sld [smem:$0x3F9E]  }
0x29: {  	s4 =	sld [smem:$0x3FA0]  }
0x2a: {  	p0 =	seq.s32 s5, $0x0;
	s5 =	sld [smem:$0x3FA1]  }
0x2b: {  	s6 =	sld [smem:$0x3FA2]  }
0x2c: {  	s7 =	sld [smem:$0x3FA3]  }
0x2d: {  	s3 =	simm.s32 $0x108;
	s8 =	sld [smem:$0x3FA4]  }
0x2e: {  	s3 =	simm.s32 @!p0 $0x1082;
	s9 =	sld [smem:$0x3FA5]  }
0x2f: {  	lr =	sadd.s32 s0, s3;
	s0 =	sld [smem:$0x3F9C]  }
0x30: {  	s3 =	sld [smem:$0x3F9F]  }
0x31: {  	[smem:$0x3FA8] =	sst s10  }
0x32: {  	s10 =	sld [smem:$0x3FA6];
	_ =	sdelay $0x3  }
0x33: {  	p0 =	seq.s32 s10, $0x1;
	s10 =	sld [smem:$0x3FA8];
	_ =	sdelay $0x3  }
0x34: {  	[smem:$0x3FA8] =	sst s10  }
0x35: {  	s10 =	sld [smem:$0x3FA7];
	_ =	sdelay $0x3  }
0x36: {  	p1 =	seq.s32 s10, $0x1;
	s10 =	sld [smem:$0x3FA8];
	_ =	sdelay $0x3  }
0x37: {  	[smem:$0x3FA8] =	sst s10  }
0x38: {  	s10 =	sld [smem:$0x3FA9]  }
0x39: {  	_ = 	snop;
	(pc) =	sbr.ind lr, $3  }
0x3a: {  	_ = 	snop  }
0x3b: {  	_ = 	snop  }
0x3c: {  	p2 =	seq.s32 s10, $0x1;
	s10 =	sld [smem:$0x3FA8]  }
0x3d: {  	_ =	shalt  }
0x3e: {  	_ =	shalt  }
0x3f: {  	_ =	shalt  }
0x40: {  	_ =	shalt  }
0x41: {  	_ =	shalt  }
0x42: {  	_ =	shalt  }
0x43: {  	_ =	shalt  }
0x44: {  	_ =	shalt  }
0x45: {  	_ =	shalt  }
0x46: {  	_ =	shalt  }
0x47: {  	_ =	shalt  }
0x48: {  	_ =	shalt  }
0x49: {  	_ =	shalt  }
0x4a: {  	_ =	shalt  }
0x4b: {  	_ =	shalt  }
0x4c: {  	_ =	shalt  }
0x4d: {  	_ =	shalt  }
0x4e: {  	_ =	shalt  }
0x4f: {  	_ =	shalt  }
0x50: {  	_ =	shalt  }
0x51: {  	_ =	shalt  }
0x52: {  	_ =	shalt  }
0x53: {  	_ =	shalt  }
0x54: {  	_ =	shalt  }
0x55: {  	_ =	shalt  }
0x56: {  	_ =	shalt  }
0x57: {  	_ =	shalt  }
0x58: {  	_ =	shalt  }
0x59: {  	_ =	shalt  }
0x5a: {  	_ =	shalt  }
0x5b: {  	_ =	shalt  }
0x5c: {  	_ =	shalt  }
0x5d: {  	_ =	shalt  }
0x5e: {  	_ =	shalt  }
0x5f: {  	_ =	shalt  }
0x60: {  	_ =	shalt  }
0x61: {  	_ =	shalt  }
0x62: {  	_ =	shalt  }
0x63: {  	_ =	shalt  }
0x64: {  	_ =	shalt  }
0x65: {  	_ =	shalt  }
0x66: {  	_ =	shalt  }
0x67: {  	_ =	shalt  }
0x68: {  	_ =	shalt  }
0x69: {  	_ =	shalt  }
0x6a: {  	_ =	shalt  }
0x6b: {  	_ =	shalt  }
0x6c: {  	_ =	shalt  }
0x6d: {  	_ =	shalt  }
0x6e: {  	_ =	shalt  }
0x6f: {  	_ =	shalt  }
0x70: {  	_ =	shalt  }
0x71: {  	_ =	shalt  }
0x72: {  	_ =	shalt  }
0x73: {  	_ =	shalt  }
0x74: {  	_ =	shalt  }
0x75: {  	_ =	shalt  }
0x76: {  	_ =	shalt  }
0x77: {  	_ =	shalt  }
0x78: {  	_ =	shalt  }
0x79: {  	_ =	shalt  }
0x7a: {  	_ =	shalt  }
0x7b: {  	_ =	shalt  }
0x7c: {  	_ =	shalt  }
0x7d: {  	_ =	shalt  }
0x7e: {  	_ =	shalt  }
0x7f: {  	_ =	shalt  }
0x80: {  	_ =	shalt  }
0x81: {  	_ =	shalt  }
0x82: {  	_ =	shalt  }
0x83: {  	_ =	shalt  }
0x84: {  	_ =	shalt  }
0x85: {  	_ =	shalt  }
0x86: {  	_ =	shalt  }
0x87: {  	_ =	shalt  }
.Lfunc_end0:
.L_simem_size_0:
called_computation_lowered:
.L_overlay_start_0:
0x88: {  	s2 =	sld [smem:$0x3FD9]  }
0x89: {  	s3 =	sld [smem:$0x3FFE];
	_ =	sdelay $0x1  }
0x8a: {  	s1 =	srdreg.scid  }
0x8b: {  	s0 =	sand.u32 $0x1, s1  }
0x8c: {  	s15 =	sshll.u32 s0, $0xA;
	s2 =	sadd.s32 s3, s2  }
0x8d: {  	s2 =	sadd.s32 s2, s15  }
0x8e: {  	[smem:$0x3FB4] =	sst s2  }
0x8f: {  	_ = 	snop  }
0x90: {  	s2 =	sld [smem:$0x3FD0];
	_ =	sdelay $0x1  }
0x91: {  	s16 =	sld [smem:$0x3FC7]  }
0x92: {  	s5 =	simm.s32 $0xB;
	s6 =	simm.s32 $0x10;
	s4 =	sld [smem:$0x3FC6]  }
0x93: {  	[smem:s6], [sflag:s5] =	dma.local [hbm:s2], $0x1  }
0x94: {  	_ =	swait.eq [sflag:s5], $0x1  }
0x95: {  	[sflag:s5] =	ssyncset.done $0x0  }
0x96: {  	[sflag:s5] =	ssyncadd.s32 $0xFFFFFFFF  }
0x97: {  	s17 =	sld [smem:$0x10];
	(tm) =	ssettm $0x1  }
0x98: {  	s18 =	sld [smem:$0x3FFB];
	_ =	sdelay $0x3  }
0x99: {  	_ =	strace s18  }
0x9a: {  	s2 =	sld [smem:$0x3FFC];
	_ =	sdelay $0x3  }
0x9b: {  	_ =	strace s2  }
0x9c: {  	s2 =	sld [smem:$0x3FFD];
	_ =	sdelay $0x3  }
0x9d: {  	_ =	strace s2  }
0x9e: {  	_ =	strace $0x8FFFFFFF  }
0x9f: {  	s19 =	sld [smem:$0x3FDB];
	_ =	sdelay $0x1  }
0xa0: {  	s20 =	simm.s32 $_scs_section_size  }
0xa1: {  	s7 =	simm.s32 $_size__tile_overlayer_lowered;
	s8 =	simm.s32 $_tile_overlayer_lowered  }
0xa2: {  	s9 =	simm.s32 $0x1BFF;
	s21 =	sshll.u32 s8, $0x1;
	s6 =	sadd.s32 s20, s19  }
0xa3: {  	s22 =	simm.s32 $0x0;
	s7 =	sshll.u32 s7, $0x1;
	s8 =	sadd.s32 s21, s6  }
0xa4: {  	[timem:s22], [sflag:s9] =	dma.local [hbm:s8], s7  }
0xa5: {  	_ =	swait.ge [sflag:s9], s7  }
0xa6: {  	s7 =	ssub.s32 $0x0, s7;
	[sflag:s9] =	ssyncset.done $0x0  }
0xa7: {  	[sflag:s9] =	ssyncadd.s32 s7;
	_ =	sdelay $0x1  }
0xa8: {  	s23 =	simm.s32 $0x1B8B  }
0xa9: {  	_ =	swait.ge [sflag:s23], $0x1  }
0xaa: {  	[sflag:s23] =	ssyncset.done $0x0  }
0xab: {  	[sflag:s23] =	ssyncadd.s32 $0xFFFFFFFF  }
0xac: {  	s7 =	sld [smem:$0x0]  }
0xad: {  	s8 =	sand.u32 $0xFFFFFFFE, s1  }
0xae: {  	p0 =	sne.s32 s1, s8  }
0xaf: {  	s8 =	sshll.u32 @p0 s8, $0xE  }
0xb0: {  	s8 =	sadd.s32 @p0 $0x11B8D, s8;
	s9 =	sshll.u32 @p0 s7, $0x11  }
0xb1: {  	s8 =	sor.u32 @p0 s9, s8  }
0xb2: {  	[sflag:s8] =	ssyncadd.remote.s32 @p0 $0x1;
	_ =	sdelay $0x1  }
0xb3: {  	s8 =	simm.s32 @p0 $0x1B8D  }
0xb4: {  	_ =	swait.eq @p0 [sflag:s8], $0x1  }
0xb5: {  	[sflag:s8] =	ssyncadd.s32 @p0 $0xFFFFFFFF  }
0xb6: {  	s9 =	sshll.u32 @!p0 s1, $0xE  }
0xb7: {  	s9 =	sor.u32 @!p0 $0x4000, s9;
	s8 =	simm.s32 @!p0 $0x1B8D  }
0xb8: {  	s7 =	sshll.u32 @!p0 s7, $0x11;
	s9 =	sadd.s32 @!p0 $0x11B8D, s9;
	_ =	swait.eq @!p0 [sflag:s8], $0x1  }
0xb9: {  	s7 =	sor.u32 @!p0 s7, s9;
	[sflag:s8] =	ssyncadd.s32 @!p0 $0xFFFFFFFF  }
0xba: {  	s25 =	simm.s32 $0x1B8E;
	s24 =	sld [smem:$0x3FFE];
	[sflag:s7] =	ssyncadd.remote.s32 @!p0 $0x1  }
0xbb: {  	s26 =	simm.s32 $execute0_lowered;
	[smem:$0x3FD2] =	sst s25  }
0xbc: {  	s8 =	sshll.u32 s26, $0x1;
	_ =	strace $0x80000049;
	[dreg:$0x1] =	wrdreg $0xFFFFFFFF  }
0xbd: {  	s28 =	simm.s32 $_size_execute0_lowered;
	s6 =	sadd.s32 s6, s8;
	[dreg:$0x0] =	wrdreg $0x0  }
0xbe: {  	s8 =	sshll.u32 s28, $0x1;
	[dreg:$0x2] =	wrdreg s6  }
0xbf: {  	[dreg:$0x3] =	wrdreg s8  }
0xc0: {  	[dreg:$0x4] =	wrdreg $0xC0  }
0xc1: {  	_ =	task [dreg:s22], $0x5FFFF  }
0xc2: {  	[dreg:$0x1] =	wrdreg $0xFFFFFFFF  }
0xc3: {  	[dreg:$0x0] =	wrdreg $0x60  }
0xc4: {  	[dreg:$0x2] =	wrdreg s17  }
0xc5: {  	[dreg:$0x3] =	wrdreg s16  }
0xc6: {  	[dreg:$0x4] =	wrdreg s4  }
0xc7: {  	[dreg:$0x5] =	wrdreg s24  }
0xc8: {  	[dreg:$0x6] =	wrdreg $0x25000  }
0xc9: {  	[dreg:$0x7] =	wrdreg $0xC5000  }
0xca: {  	[dreg:$0x8] =	wrdreg $0x9  }
0xcb: {  	_ =	task.clear_ibuf [dreg:s22], $0x9FFFF;
	_ =	strace $0x90000049  }
0xcc: {  	s29 =	simm.s32 $0x9;
	_ =	strace $0x8000004B  }
0xcd: {  	_ =	swait.ge [sflag:s29], $0x1  }
0xce: {  	[sflag:s29] =	ssyncadd.s32 $0xFFFFFFFF  }
0xcf: {  	_ =	strace $0x9000004B  }
0xd0: {  	_ =	sfence  }
0xd1: {  	s30 =	sld [smem:$0x0];
	_ =	sdelay $0x2  }
0xd2: {  	s31 =	sshll.u32 s1, $0xD;
	s1 =	sshrl.u32 s1, $0x2  }
0xd3: {  	s4 =	sand.u32 $0x4000, s31;
	s1 =	sadd.s32 s1, s30  }
0xd4: {  	s0 =	sor.u32 s4, s0;
	s1 =	sshll.u32 s1, $0x11  }
0xd5: {  	s0 =	sor.u32 s1, s0  }
0xd6: {  	s0 =	sadd.s32 $0x8F2B, s0  }
0xd7: {  	[sflag:s0] =	ssyncadd.remote.s32 $0x1  }
0xd8: {  	_ =	sfence.sel $0xFFFF  }
0xd9: {  	[dreg:$0x0] =	wrdreg $0xFFFFFFFF;
	(pc) =	sbr.abs _section_cstart, $3  }
0xda: {  	[dreg:$0x1] =	wrdreg $0xFFFFFFFF  }
0xdb: {  	_ =	task.clear_ibuf [dreg:s22], $0x2FFFF;
	_ =	strace $0x9FFFFFFF  }
0xdc: {  	(tm) =	ssettm $0x7FFFFFFF  }
0xdd: {  	_ =	shalt  }
tec
execute0_lowered:
.L_overlay_start_1:
0x0: {  	(tag) =	ssettag $0x1  }
0x1: {  	s1 =	rddreg [dreg:$0x0]  }
0x2: {  	s15 =	rddreg [dreg:$0x1]  }
0x3: {  	s13 =	rddreg [dreg:$0x2]  }
0x4: {  	s7 =	rddreg [dreg:$0x3]  }
0x5: {  	s3 =	rddreg [dreg:$0x4]  }
0x6: {  	s4 =	rddreg [dreg:$0x5]  }
0x7: {  	s0 =	rddreg [dreg:$0x6];
	s2 =	stileid.u32  }
0x8: {  	s5 =	simm.s32 $0x0;
	s6 =	srdreg.scid;
	s8 =	smul.u32 $0xA000, s2  }
0x9: {  	[smem:$0x7FF] =	sst s5;
	s10 =	smul.u32 $0x1400, s2  }
0xa: {  	s14 =	sand.u32 $0x1, s6;
	s6 =	sadd.s32 $0x2BE00, s7;
	s29 =	sshll.u32 s2, $0x6  }
0xb: {  	s30 =	sshll.u32 s2, $0x5;
	_ =	strace $0x8000004A;
	s9 =	smul.u32 $0xA0000, s14  }
0xc: {  	s12 =	smul.u32 $0x14000, s14;
	s17 =	ssub.s32 $0x2, s14;
	s31 =	sadd.s32 s30, s13  }
0xd: {  	s21 =	sshll.u32 s14, $0x4;
	s15 =	sadd.s32 s30, s15;
	s26 =	sshrl.u32 s8, $0x3  }
0xe: {  	s11 =	sshrl.u32 s10, $0x3;
	s18 =	sshrl.u32 s17, $0x1;
	s28 =	sadd.s32 s8, s3  }
0xf: {  	s20 =	sadd.s32 s10, s4;
	s14 =	sadd.s32 s21, s31;
	s15 =	sadd.s32 s21, s15  }
0x10: {  	s16 =	sadd.s32 s26, s7;
	s11 =	sadd.s32 s11, s7;
	s9 =	sadd.s32 s8, s9  }
0x11: {  	s12 =	sadd.s32 s10, s12;
	s17 =	ssub.s32 s17, s18;
	s18 =	sshrl.u32 s20, $0x3  }
0x12: {  	s20 =	simm.s32 $0x0;
	s9 =	sshrl.u32 s9, $0x3;
	s12 =	sshrl.u32 s12, $0x3  }
0x13: {  	s8 =	sadd.s32 $0x32200, s16;
	s10 =	sadd.s32 $0x2C000, s11;
	s13 =	smax.u32 s17, $0x1  }
0x14: {  	s16 =	sshrl.u32 s28, $0x3;
	s17 =	simm.s32 $0x2;
	s19 =	sadd.s32 s9, s7  }
0x15: {  	s12 =	sadd.s32 s12, s7;
	s7 =	sshll.u32 s2, $0x1;
	s11 =	sadd.s32 $0x194C00, s19  }
0x16: {  	s9 =	sor.u32 $0x1C02, s29;
	s12 =	sadd.s32 $0x1BCC00, s12;
	s19 =	simm.s32 $0x2100  }
.LBB2_1:
0x17: {  	[spmem:s16], [sflag:s9] =	dma.local [hbm:s8], $0x1400  }
0x18: {  	_ =	swait.ge [sflag:s17], $0x1400  }
0x19: {  	[sflag:s17] =	ssyncset.done $0x0  }
0x1a: {  	[sflag:s17] =	ssyncadd.s32 $0xFFFFEC00  }
0x1b: {  	[spmem:s18], [sflag:s9] =	dma.local [hbm:s10], $0x280  }
0x1c: {  	_ =	swait.ge [sflag:s17], $0x280  }
0x1d: {  	[sflag:s17] =	ssyncset.done $0x0  }
0x1e: {  	[sflag:s17] =	ssyncadd.s32 $0xFFFFFD80  }
0x1f: {  	[tilespmem:s19], [sflag:$0x2] =	stream.linear.gather [hbm4b:s6+s5], $0x400, $0x38;
	[tilespmem:$0xD900] =	vst v63  }
0x20: {  	_ =	swait.ge [sflag:s17], $0x400  }
0x21: {  	p0 =	sgt.u32 s7, $0x1869;
	[sflag:s17] =	ssyncset.done $0x0  }
0x22: {  	s21 =	sadd.s32 @!p0 $0x0, s15;
	[sflag:s17] =	ssyncadd.s32 $0xFFFFFC00  }
0x23: {  	s22 =	simm.s32 @!p0 $0x0;
	s23 =	simm.s32 @!p0 $0x3;
	[bflag:$0x0] =	sbarrier.arrive $0xFFFF  }
0x24: {  	[tilespmem:s22], [sflag:$0x3] =	stream.linear.gather @!p0 [hbm4b:s21+s22], $0x80, $0x38;
	[tilespmem:$0xD900] =	vst v63  }
0x25: {  	_ =	swait.ge @!p0 [sflag:s23], $0x80;
	p0 =	por p0, p0  }
0x26: {  	[sflag:s23] =	ssyncset.done @!p0 $0x0;
	s21 =	simm.s32 @!p0 $0x1  }
0x27: {  	s24 =	simm.s32 @!p0 $0x80;
	s25 =	simm.s32 @!p0 $0x100;
	[sflag:s23] =	ssyncadd.s32 @!p0 $0xFFFFFF80  }
0x28: {  	[tilespmem:s25], [sflag:$0x1] =	stream.indirect.gather @!p0 [hbm4b:s1+s24], $0x40, s22, s24, $0xb8;
	[tilespmem:$0xD900] =	vst v63  }
0x29: {  	_ =	swait.ge @!p0 [sflag:s21], $0x2000  }
0x2a: {  	[sflag:s21] =	ssyncset.done @!p0 $0x0  }
0x2b: {  	[sflag:s21] =	ssyncadd.s32 @!p0 $0xFFFFE000;
	s21 =	sadd.s32 @!p0 $0x0, s14  }
0x2c: {  	[tilespmem:s24], [sflag:$0x3] =	stream.linear.gather @!p0 [hbm4b:s21+s22], $0x80, $0x38;
	[tilespmem:$0xD900] =	vst v63  }
0x2d: {  	_ =	swait.ge @!p0 [sflag:s23], $0x80  }
0x2e: {  	[sflag:s23] =	ssyncset.done @!p0 $0x0  }
0x2f: {  	[sflag:s23] =	ssyncadd.s32 @!p0 $0xFFFFFF80  }
0x30: {  	[spmem:s3] =	stream.indirect.scatter.add.f32 @!p0 [tilespmem:s25], [sflag:$0x3], $0x40, s24, s24, $0xb8;
	[tilespmem:$0xD900] =	vst v63  }
0x31: {  	_ =	swait.ge @!p0 [sflag:s23], $0x2000  }
0x32: {  	[sflag:s23] =	ssyncset.done @!p0 $0x0  }
0x33: {  	s21 =	simm.s32 @!p0 $0x2100;
	s22 =	sadd.s32 $0x20, s7;
	[sflag:s23] =	ssyncadd.s32 @!p0 $0xFFFFE000  }
0x34: {  	[spmem:s4] =	stream.indirect.scatter.add.f32 @!p0 [tilespmem:s21], [sflag:$0x2], $0x8, s24, s24, $0xb8;
	[tilespmem:$0xD900] =	vst v63  }
0x35: {  	p2 =	sgt.u32 s22, $0x1869;
	s24 =	simm.s32 @!p0 $0x2  }
0x36: {  	s23 =	simm.s32 $0x400;
	s21 =	simm.s32 $0x200;
	_ =	swait.ge @!p0 [sflag:s24], $0x400  }
.LBB2_2:
0x37: {  	s25 =	sadd.s32 @!p2 s21, s15  }
0x38: {  	s26 =	simm.s32 @!p2 $0x0;
	[sflag:s24] =	ssyncset.done @!p0 $0x0;
	s28 =	smov.u32 s23  }
0x39: {  	s23 =	sadd.s32 $0x200, s23;
	s29 =	simm.s32 @!p2 $0x3;
	[sflag:s24] =	ssyncadd.s32 @!p0 $0xFFFFFC00  }
0x3a: {  	[tilespmem:s26], [sflag:$0x3] =	stream.linear.gather @!p2 [hbm4b:s25+s26], $0x80, $0x38;
	[tilespmem:$0xD900] =	vst v63  }
0x3b: {  	p1 =	sne.s32 s23, $0x18800;
	p0 =	por p2, p2;
	_ =	swait.ge @!p2 [sflag:s29], $0x80  }
0x3c: {  	s24 =	simm.s32 @!p0 $0x1;
	[sflag:s29] =	ssyncset.done @!p0 $0x0  }
0x3d: {  	s25 =	simm.s32 @!p0 $0x80;
	s30 =	simm.s32 @!p0 $0x100;
	[sflag:s29] =	ssyncadd.s32 @!p0 $0xFFFFFF80  }
0x3e: {  	[tilespmem:s30], [sflag:$0x1] =	stream.indirect.gather @!p0 [hbm4b:s1+s25], $0x40, s26, s25, $0xb8;
	[tilespmem:$0xD900] =	vst v63  }
0x3f: {  	_ =	swait.ge @!p0 [sflag:s24], $0x2000  }
0x40: {  	[sflag:s24] =	ssyncset.done @!p0 $0x0  }
0x41: {  	[sflag:s24] =	ssyncadd.s32 @!p0 $0xFFFFE000;
	s24 =	sadd.s32 @!p0 s21, s14;
	s21 =	smov.u32 s28  }
0x42: {  	[tilespmem:s25], [sflag:$0x3] =	stream.linear.gather @!p0 [hbm4b:s24+s26], $0x80, $0x38;
	[tilespmem:$0xD900] =	vst v63  }
0x43: {  	_ =	swait.ge @!p0 [sflag:s29], $0x80  }
0x44: {  	[sflag:s29] =	ssyncset.done @!p0 $0x0  }
0x45: {  	[sflag:s29] =	ssyncadd.s32 @!p0 $0xFFFFFF80  }
0x46: {  	[spmem:s3] =	stream.indirect.scatter.add.f32 @!p0 [tilespmem:s30], [sflag:$0x3], $0x40, s25, s25, $0xb8;
	[tilespmem:$0xD900] =	vst v63  }
.Ltmp0:
0x47: {  	_ =	swait.ge @!p0 [sflag:s29], $0x2000;
	(pc) =	sbr.rel @p1 .LBB2_2-.Ltmp0, $4  }
0x48: {  	s22 =	sadd.s32 $0x20, s22;
	[sflag:s29] =	ssyncset.done @!p0 $0x0  }
0x49: {  	s26 =	simm.s32 @!p0 $0x2100;
	s24 =	simm.s32 @!p0 $0x2;
	[sflag:s29] =	ssyncadd.s32 @!p0 $0xFFFFE000  }
0x4a: {  	[spmem:s4] =	stream.indirect.scatter.add.f32 @!p0 [tilespmem:s26], [sflag:$0x2], $0x8, s25, s25, $0xb8;
	[tilespmem:$0xD900] =	vst v63  }
0x4b: {  	p2 =	sgt.u32 s22, $0x1869;
	_ =	swait.ge @!p0 [sflag:s24], $0x400  }
0x4c: {  	s22 =	sadd.s32 @!p2 s21, s15;
	[sflag:s24] =	ssyncset.done @!p0 $0x0  }
0x4d: {  	s23 =	simm.s32 @!p2 $0x0;
	s25 =	simm.s32 @!p2 $0x3;
	[sflag:s24] =	ssyncadd.s32 @!p0 $0xFFFFFC00  }
0x4e: {  	[tilespmem:s23], [sflag:$0x3] =	stream.linear.gather @!p2 [hbm4b:s22+s23], $0x80, $0x38;
	[tilespmem:$0xD900] =	vst v63  }
0x4f: {  	p0 =	por p2, p2;
	_ =	swait.ge @!p2 [sflag:s25], $0x80  }
0x50: {  	s22 =	simm.s32 @!p0 $0x1;
	[sflag:s25] =	ssyncset.done @!p0 $0x0  }
0x51: {  	s24 =	simm.s32 @!p0 $0x80;
	s26 =	simm.s32 @!p0 $0x100;
	[sflag:s25] =	ssyncadd.s32 @!p0 $0xFFFFFF80  }
0x52: {  	[tilespmem:s26], [sflag:$0x1] =	stream.indirect.gather @!p0 [hbm4b:s1+s24], $0x40, s23, s24, $0xb8;
	[tilespmem:$0xD900] =	vst v63  }
0x53: {  	_ =	swait.ge @!p0 [sflag:s22], $0x2000  }
0x54: {  	[sflag:s22] =	ssyncset.done @!p0 $0x0  }
0x55: {  	s21 =	sadd.s32 @!p0 s21, s14;
	[sflag:s22] =	ssyncadd.s32 @!p0 $0xFFFFE000  }
0x56: {  	[tilespmem:s24], [sflag:$0x3] =	stream.linear.gather @!p0 [hbm4b:s21+s23], $0x80, $0x38;
	[tilespmem:$0xD900] =	vst v63  }
0x57: {  	_ =	swait.ge @!p0 [sflag:s25], $0x80  }
0x58: {  	[sflag:s25] =	ssyncset.done @!p0 $0x0  }
0x59: {  	[sflag:s25] =	ssyncadd.s32 @!p0 $0xFFFFFF80  }
0x5a: {  	[spmem:s3] =	stream.indirect.scatter.add.f32 @!p0 [tilespmem:s26], [sflag:$0x3], $0x40, s24, s24, $0xb8;
	[tilespmem:$0xD900] =	vst v63  }
0x5b: {  	_ =	swait.ge @!p0 [sflag:s25], $0x2000  }
0x5c: {  	[sflag:s25] =	ssyncset.done @!p0 $0x0  }
0x5d: {  	s22 =	simm.s32 @!p0 $0x2;
	s21 =	simm.s32 @!p0 $0x2100;
	[sflag:s25] =	ssyncadd.s32 @!p0 $0xFFFFE000  }
0x5e: {  	[spmem:s4] =	stream.indirect.scatter.add.f32 @!p0 [tilespmem:s21], [sflag:$0x2], $0x8, s24, s24, $0xb8;
	[tilespmem:$0xD900] =	vst v63  }
0x5f: {  	_ =	swait.ge @!p0 [sflag:s22], $0x400  }
0x60: {  	[sflag:s22] =	ssyncset.done @!p0 $0x0  }
0x61: {  	[sflag:s22] =	ssyncadd.s32 @!p0 $0xFFFFFC00  }
0x62: {  	[bflag:$0x0] =	sbarrier.arrive $0xFFFF  }
0x63: {  	[hbm:s11], [sflag:s9] =	dma.local [spmem:s16], $0x1400  }
0x64: {  	s20 =	sadd.s32 $0x1, s20;
	_ =	swait.ge [sflag:s17], $0x1400  }
0x65: {  	p0 =	sne.s32 s20, s13;
	[sflag:s17] =	ssyncset.done $0x0  }
.Ltmp1:
0x66: {  	[sflag:s17] =	ssyncadd.s32 $0xFFFFEC00;
	(pc) =	sbr.rel @p0 .LBB2_1-.Ltmp1, $4  }
0x67: {  	[hbm:s12], [sflag:s9] =	dma.local [spmem:s18], $0x280  }
0x68: {  	_ =	swait.ge [sflag:s17], $0x280  }
0x69: {  	[sflag:s17] =	ssyncset.done $0x0  }
0x6a: {  	[sflag:s17] =	ssyncadd.s32 $0xFFFFFD80  }
0x6b: {  	_ =	sfence.sel $0x180000  }
0x6c: {  	[bflag:$0x0] =	sbarrier.arrive $0xFFFF  }
0x6d: {  	p0 =	sne.s32 s2, $0x0;
	_ =	strace $0x9000004A  }
0x6e: {  	s0 =	sadd.s32 @!p0 $0x100000, s0;
	[bflag:$0x2] =	sbarrier.arrive $0xFFFF  }
0x6f: {  	[sflag:s0] =	ssyncadd.tile.s32 @!p0 $0x1;
	_ =	shalt  }
.Lfunc_end2:
_tile_overlayer_lowered:
.L_overlay_start_2:
0x70: {  	(tag) =	ssettag $0x2  }
0x71: {  	s0 =	rddreg [dreg:$0x0];
	s2 =	stileid.u32  }
0x72: {  	s1 =	rddreg [dreg:$0x1];
	p0 =	sne.s32 s2, $0x0  }
0x73: {  	s3 =	rddreg [dreg:$0x2];
	[bflag:$0x3] =	sbarrier.arrive $0xFFFF;
	s2 =	simm.s32 @!p0 $0x1C02  }
0x74: {  	[timem:s3], [sflag:s2] =	dma.local @!p0 [hbm:s0], s1  }
0x75: {  	s0 =	simm.s32 @!p0 $0x2  }
0x76: {  	_ =	swait.ge @!p0 [sflag:s0], s1  }
0x77: {  	s1 =	ssub.s32 @!p0 $0x0, s1;
	[sflag:s0] =	ssyncset.done @!p0 $0x0  }
0x78: {  	[sflag:s0] =	ssyncadd.s32 @!p0 s1  }
0x79: {  	[bflag:$0x3] =	sbarrier.arrive $0xFFFF  }
0x7a: {  	_ =	shalt  }

// kernel: kernel.15.cloned.1.call-start
scs
__scs_entry_jumppad:
0x0: {  	(pc) =	sbr.rel $0x88, $3  }
0x1: {  	(tag) =	ssettag $0x0;
	lr =	simm.s32 $0x1  }
0x2: {  	[smem:$0x3F8D] =	sst lr;
	_ =	strace $0xD0000000  }
0x3: {  	_ = 	snop  }
0x4: {  	_ = 	snop  }
0x5: {  	_ = 	snop  }
0x6: {  	_ = 	snop  }
0x7: {  	_ = 	snop  }
__scs_overlays_trampoline_lowered:
0x8: {  	[smem:$0x3F9C] =	sst s0  }
0x9: {  	[smem:$0x3F9D] =	sst s1  }
0xa: {  	[smem:$0x3F9E] =	sst s2  }
0xb: {  	[smem:$0x3F9F] =	sst s3  }
0xc: {  	[smem:$0x3FA0] =	sst s4  }
0xd: {  	[smem:$0x3FA1] =	sst s5  }
0xe: {  	[smem:$0x3FA2] =	sst s6  }
0xf: {  	[smem:$0x3FA3] =	sst s7  }
0x10: {  	[smem:$0x3FA4] =	sst s8  }
0x11: {  	[smem:$0x3FA5] =	sst s9;
	s0 =	simm.s32 @!p0 $0x0  }
0x12: {  	s1 =	sld [smem:$0x3F8B];
	s0 =	simm.s32 @p0 $0x1  }
0x13: {  	[smem:$0x3FA6] =	sst s0;
	s0 =	simm.s32 @!p1 $0x0  }
0x14: {  	s2 =	sld [smem:$0x3F8A];
	s0 =	simm.s32 @p1 $0x1  }
0x15: {  	[smem:$0x3FA7] =	sst s0;
	s0 =	simm.s32 @!p2 $0x0  }
0x16: {  	s3 =	sld [smem:$0x3FDB];
	s0 =	simm.s32 @p2 $0x1  }
0x17: {  	s4 =	simm.s32 $0x1BF5;
	[smem:$0x3FA9] =	sst s0  }
0x18: {  	s0 =	sld [smem:$0x3F8C];
	_ =	swait.ge [sflag:s4], $0x0  }
0x19: {  	s7 =	sld [smem:$0x3F8D]  }
0x1a: {  	s8 =	sadd.s32 $0xFFFFE003, lr  }
0x1b: {  	s9 =	sadd.s32 $0xFFFFFEF7, lr;
	s5 =	simm.s32 $0xFFFFFFFF;
	p2 =	slt.u32 s8, $0xFFFFF086  }
0x1c: {  	p1 =	slt.u32 s9, $0xF7A;
	s5 =	simm.s32 @!p2 $0x0  }
0x1d: {  	s5 =	simm.s32 @p1 $0x1;
	p0 =	seq.s32 s7, s2  }
0x1e: {  	s7 =	smul.u32 @!p0 $0xF7A, s2;
	p2 =	seq.s32 @!p0 s5, $0x0  }
0x1f: {  	s9 =	smul.u32 $0xF7A, s1;
	s8 =	simm.s32 @!p0 $0x1BF5;
	p2 =	por !p2, p0  }
0x20: {  	[sflag:s8] =	ssyncset.s32 @!p0 $0xFFFFF086;
	s6 =	sadd.s32 @!p0 s3, s7;
	s7 =	simm.s32 @!p0 $0x108  }
0x21: {  	s3 =	sadd.s32 s3, s9;
	s6 =	sadd.s32 @!p0 $0x88, s6;
	s7 =	simm.s32 @p2 $0x1082  }
0x22: {  	[simem:s7], [sflag:s8] =	dma.local @!p0 [hbm:s6], $0xF7A  }
0x23: {  	s9 =	sor.u32 $0xD0000000, s2;
	s6 =	simm.s32 $0x108;
	_ =	swait.ge @!p0 [sflag:s8], $0x0  }
0x24: {  	s3 =	sadd.s32 $0x88, s3;
	s6 =	simm.s32 @!p1 $0x1082;
	[sflag:s4] =	ssyncset.s32 $0xFFFFF086  }
0x25: {  	[simem:s6], [sflag:s4] =	dma.local [hbm:s3], $0xF7A  }
0x26: {  	[smem:$0x3F8D] =	sst s1;
	(tag) =	ssettag s2;
	_ =	strace s9  }
0x27: {  	s1 =	sld [smem:$0x3F9D]  }
0x28: {  	s2 =	sld [smem:$0x3F9E]  }
0x29: {  	s4 =	sld [smem:$0x3FA0]  }
0x2a: {  	p0 =	seq.s32 s5, $0x0;
	s5 =	sld [smem:$0x3FA1]  }
0x2b: {  	s6 =	sld [smem:$0x3FA2]  }
0x2c: {  	s7 =	sld [smem:$0x3FA3]  }
0x2d: {  	s3 =	simm.s32 $0x108;
	s8 =	sld [smem:$0x3FA4]  }
0x2e: {  	s3 =	simm.s32 @!p0 $0x1082;
	s9 =	sld [smem:$0x3FA5]  }
0x2f: {  	lr =	sadd.s32 s0, s3;
	s0 =	sld [smem:$0x3F9C]  }
0x30: {  	s3 =	sld [smem:$0x3F9F]  }
0x31: {  	[smem:$0x3FA8] =	sst s10  }
0x32: {  	s10 =	sld [smem:$0x3FA6];
	_ =	sdelay $0x3  }
0x33: {  	p0 =	seq.s32 s10, $0x1;
	s10 =	sld [smem:$0x3FA8];
	_ =	sdelay $0x3  }
0x34: {  	[smem:$0x3FA8] =	sst s10  }
0x35: {  	s10 =	sld [smem:$0x3FA7];
	_ =	sdelay $0x3  }
0x36: {  	p1 =	seq.s32 s10, $0x1;
	s10 =	sld [smem:$0x3FA8];
	_ =	sdelay $0x3  }
0x37: {  	[smem:$0x3FA8] =	sst s10  }
0x38: {  	s10 =	sld [smem:$0x3FA9]  }
0x39: {  	_ = 	snop;
	(pc) =	sbr.ind lr, $3  }
0x3a: {  	_ = 	snop  }
0x3b: {  	_ = 	snop  }
0x3c: {  	p2 =	seq.s32 s10, $0x1;
	s10 =	sld [smem:$0x3FA8]  }
0x3d: {  	_ =	shalt  }
0x3e: {  	_ =	shalt  }
0x3f: {  	_ =	shalt  }
0x40: {  	_ =	shalt  }
0x41: {  	_ =	shalt  }
0x42: {  	_ =	shalt  }
0x43: {  	_ =	shalt  }
0x44: {  	_ =	shalt  }
0x45: {  	_ =	shalt  }
0x46: {  	_ =	shalt  }
0x47: {  	_ =	shalt  }
0x48: {  	_ =	shalt  }
0x49: {  	_ =	shalt  }
0x4a: {  	_ =	shalt  }
0x4b: {  	_ =	shalt  }
0x4c: {  	_ =	shalt  }
0x4d: {  	_ =	shalt  }
0x4e: {  	_ =	shalt  }
0x4f: {  	_ =	shalt  }
0x50: {  	_ =	shalt  }
0x51: {  	_ =	shalt  }
0x52: {  	_ =	shalt  }
0x53: {  	_ =	shalt  }
0x54: {  	_ =	shalt  }
0x55: {  	_ =	shalt  }
0x56: {  	_ =	shalt  }
0x57: {  	_ =	shalt  }
0x58: {  	_ =	shalt  }
0x59: {  	_ =	shalt  }
0x5a: {  	_ =	shalt  }
0x5b: {  	_ =	shalt  }
0x5c: {  	_ =	shalt  }
0x5d: {  	_ =	shalt  }
0x5e: {  	_ =	shalt  }
0x5f: {  	_ =	shalt  }
0x60: {  	_ =	shalt  }
0x61: {  	_ =	shalt  }
0x62: {  	_ =	shalt  }
0x63: {  	_ =	shalt  }
0x64: {  	_ =	shalt  }
0x65: {  	_ =	shalt  }
0x66: {  	_ =	shalt  }
0x67: {  	_ =	shalt  }
0x68: {  	_ =	shalt  }
0x69: {  	_ =	shalt  }
0x6a: {  	_ =	shalt  }
0x6b: {  	_ =	shalt  }
0x6c: {  	_ =	shalt  }
0x6d: {  	_ =	shalt  }
0x6e: {  	_ =	shalt  }
0x6f: {  	_ =	shalt  }
0x70: {  	_ =	shalt  }
0x71: {  	_ =	shalt  }
0x72: {  	_ =	shalt  }
0x73: {  	_ =	shalt  }
0x74: {  	_ =	shalt  }
0x75: {  	_ =	shalt  }
0x76: {  	_ =	shalt  }
0x77: {  	_ =	shalt  }
0x78: {  	_ =	shalt  }
0x79: {  	_ =	shalt  }
0x7a: {  	_ =	shalt  }
0x7b: {  	_ =	shalt  }
0x7c: {  	_ =	shalt  }
0x7d: {  	_ =	shalt  }
0x7e: {  	_ =	shalt  }
0x7f: {  	_ =	shalt  }
0x80: {  	_ =	shalt  }
0x81: {  	_ =	shalt  }
0x82: {  	_ =	shalt  }
0x83: {  	_ =	shalt  }
0x84: {  	_ =	shalt  }
0x85: {  	_ =	shalt  }
0x86: {  	_ =	shalt  }
0x87: {  	_ =	shalt  }
.Lfunc_end0:
.L_simem_size_0:
called_computation.1_lowered:
.L_overlay_start_0:
0x88: {  	s2 =	sld [smem:$0x3FD9]  }
0x89: {  	s3 =	sld [smem:$0x3FFE];
	_ =	sdelay $0x1  }
0x8a: {  	s1 =	srdreg.scid  }
0x8b: {  	s0 =	sand.u32 $0x1, s1  }
0x8c: {  	s14 =	sshll.u32 s0, $0xA;
	s2 =	sadd.s32 s3, s2  }
0x8d: {  	s2 =	sadd.s32 s2, s14  }
0x8e: {  	[smem:$0x3FB4] =	sst s2  }
0x8f: {  	_ = 	snop  }
0x90: {  	s2 =	sld [smem:$0x3FD0];
	_ =	sdelay $0x1  }
0x91: {  	s15 =	sld [smem:$0x3FC7]  }
0x92: {  	s5 =	simm.s32 $0xB;
	s6 =	simm.s32 $0x10;
	s4 =	sld [smem:$0x3FC6]  }
0x93: {  	[smem:s6], [sflag:s5] =	dma.local [hbm:s2], $0x1  }
0x94: {  	_ =	swait.eq [sflag:s5], $0x1  }
0x95: {  	[sflag:s5] =	ssyncset.done $0x0  }
0x96: {  	[sflag:s5] =	ssyncadd.s32 $0xFFFFFFFF  }
0x97: {  	s16 =	sld [smem:$0x11];
	(tm) =	ssettm $0x1  }
0x98: {  	s17 =	sld [smem:$0x3FFB];
	_ =	sdelay $0x3  }
0x99: {  	_ =	strace s17  }
0x9a: {  	s5 =	sld [smem:$0x3FFC];
	_ =	sdelay $0x3  }
0x9b: {  	_ =	strace s5  }
0x9c: {  	s5 =	sld [smem:$0x3FFD];
	_ =	sdelay $0x3  }
0x9d: {  	_ =	strace s5  }
0x9e: {  	_ =	strace $0x8FFFFFFF  }
0x9f: {  	s18 =	sld [smem:$0x3FDB];
	_ =	sdelay $0x1  }
0xa0: {  	s19 =	simm.s32 $_scs_section_size  }
0xa1: {  	s7 =	simm.s32 $_size__tile_overlayer_lowered;
	s8 =	simm.s32 $_tile_overlayer_lowered  }
0xa2: {  	s22 =	simm.s32 $0x1BFF;
	s21 =	sshll.u32 s8, $0x1;
	s5 =	sadd.s32 s19, s18  }
0xa3: {  	s9 =	simm.s32 $0x0;
	s20 =	sshll.u32 s7, $0x1;
	s7 =	sadd.s32 s21, s5  }
0xa4: {  	[timem:s9], [sflag:s22] =	dma.local [hbm:s7], s20  }
0xa5: {  	_ =	swait.ge [sflag:s22], s20  }
0xa6: {  	s6 =	ssub.s32 $0x0, s20;
	[sflag:s22] =	ssyncset.done $0x0  }
0xa7: {  	[sflag:s22] =	ssyncadd.s32 s6;
	_ =	sdelay $0x1  }
0xa8: {  	s23 =	simm.s32 $0x1B8B  }
0xa9: {  	_ =	swait.ge [sflag:s23], $0x1  }
0xaa: {  	[sflag:s23] =	ssyncset.done $0x0  }
0xab: {  	s25 =	simm.s32 $0x1B8E;
	s24 =	sld [smem:$0x3FFE];
	[sflag:s23] =	ssyncadd.s32 $0xFFFFFFFF  }
0xac: {  	s26 =	simm.s32 $execute0_lowered;
	[smem:$0x3FD2] =	sst s25  }
0xad: {  	s7 =	sshll.u32 s26, $0x1;
	_ =	strace $0x80000046;
	[dreg:$0x1] =	wrdreg $0xFFFFFFFF  }
0xae: {  	s28 =	simm.s32 $_size_execute0_lowered;
	s5 =	sadd.s32 s5, s7;
	[dreg:$0x0] =	wrdreg $0x0  }
0xaf: {  	s7 =	sshll.u32 s28, $0x1;
	[dreg:$0x2] =	wrdreg s5  }
0xb0: {  	[dreg:$0x3] =	wrdreg s7  }
0xb1: {  	[dreg:$0x4] =	wrdreg $0xC0  }
0xb2: {  	_ =	task [dreg:s9], $0x5FFFF  }
0xb3: {  	[dreg:$0x1] =	wrdreg $0xFFFFFFFF  }
0xb4: {  	[dreg:$0x0] =	wrdreg $0x60  }
0xb5: {  	[dreg:$0x2] =	wrdreg s16  }
0xb6: {  	[dreg:$0x3] =	wrdreg s4  }
0xb7: {  	[dreg:$0x4] =	wrdreg s15  }
0xb8: {  	[dreg:$0x5] =	wrdreg s24  }
0xb9: {  	[dreg:$0x6] =	wrdreg $0x25000  }
0xba: {  	[dreg:$0x7] =	wrdreg $0x1AD000  }
0xbb: {  	[dreg:$0x8] =	wrdreg $0xA  }
0xbc: {  	_ =	task.clear_ibuf [dreg:s9], $0x9FFFF;
	_ =	strace $0x90000046  }
0xbd: {  	s29 =	simm.s32 $0xA;
	_ =	strace $0x80000048  }
0xbe: {  	_ =	swait.ge [sflag:s29], $0x1  }
0xbf: {  	[sflag:s29] =	ssyncadd.s32 $0xFFFFFFFF  }
0xc0: {  	_ =	strace $0x90000048  }
0xc1: {  	_ =	sfence  }
0xc2: {  	s30 =	sld [smem:$0x0];
	_ =	sdelay $0x2  }
0xc3: {  	s31 =	sshll.u32 s1, $0xD;
	s1 =	sshrl.u32 s1, $0x2  }
0xc4: {  	s3 =	sand.u32 $0x4000, s31;
	s1 =	sadd.s32 s1, s30  }
0xc5: {  	s0 =	sor.u32 s3, s0;
	s1 =	sshll.u32 s1, $0x11  }
0xc6: {  	s0 =	sor.u32 s1, s0  }
0xc7: {  	s0 =	sadd.s32 $0x8F2B, s0  }
0xc8: {  	[sflag:s0] =	ssyncadd.remote.s32 $0x1  }
0xc9: {  	_ =	sfence.sel $0xFFFF  }
0xca: {  	[dreg:$0x0] =	wrdreg $0xFFFFFFFF;
	(pc) =	sbr.abs _section_cstart, $3  }
0xcb: {  	[dreg:$0x1] =	wrdreg $0xFFFFFFFF  }
0xcc: {  	_ =	task.clear_ibuf [dreg:s9], $0x2FFFF;
	_ =	strace $0x9FFFFFFF  }
0xcd: {  	(tm) =	ssettm $0x7FFFFFFF  }
tec
execute0_lowered:
.L_overlay_start_1:
0x0: {  	(tag) =	ssettag $0x1  }
0x1: {  	s1 =	rddreg [dreg:$0x0]  }
0x2: {  	s14 =	rddreg [dreg:$0x1]  }
0x3: {  	s13 =	rddreg [dreg:$0x2]  }
0x4: {  	s7 =	rddreg [dreg:$0x3]  }
0x5: {  	s3 =	rddreg [dreg:$0x4]  }
0x6: {  	s4 =	rddreg [dreg:$0x5]  }
0x7: {  	s0 =	rddreg [dreg:$0x6];
	s2 =	stileid.u32  }
0x8: {  	s6 =	srdreg.scid;
	s8 =	smul.u32 $0x18800, s2  }
0x9: {  	s5 =	simm.s32 $0x0;
	s9 =	smul.u32 $0x3100, s2;
	s10 =	sand.u32 $0x1, s6  }
0xa: {  	[smem:$0x7FF] =	sst s5;
	s6 =	sadd.s32 $0x2BE00, s7;
	s11 =	smul.u32 $0x188000, s10  }
0xb: {  	s30 =	sshll.u32 s2, $0x6;
	s31 =	sshll.u32 s2, $0x4;
	s15 =	smul.u32 $0x31000, s10  }
0xc: {  	_ =	strace $0x80000047;
	s17 =	ssub.s32 $0x2, s10;
	s20 =	smul.u32 $0x61A8, s10  }
0xd: {  	s13 =	sadd.s32 s31, s13;
	s14 =	sadd.s32 s31, s14;
	s28 =	sshrl.u32 s8, $0x3  }
0xe: {  	s12 =	sshrl.u32 s9, $0x3;
	s18 =	sshrl.u32 s17, $0x1;
	s29 =	sadd.s32 s8, s3  }
0xf: {  	s19 =	sadd.s32 s9, s4;
	s16 =	sadd.s32 s28, s7;
	s12 =	sadd.s32 s12, s7  }
0x10: {  	s11 =	sadd.s32 s8, s11;
	s15 =	sadd.s32 s9, s15;
	s17 =	ssub.s32 s17, s18  }
0x11: {  	s8 =	sor.u32 $0x1C02, s30;
	s18 =	simm.s32 $0x2100;
	s11 =	sshrl.u32 s11, $0x3  }
0x12: {  	s15 =	sshrl.u32 s15, $0x3;
	s9 =	sadd.s32 $0x2C000, s12;
	s12 =	smax.u32 s17, $0x1  }
0x13: {  	s17 =	sshrl.u32 s19, $0x3;
	s19 =	simm.s32 $0x0;
	s11 =	sadd.s32 s11, s7  }
0x14: {  	s15 =	sadd.s32 s15, s7;
	s7 =	sadd.s32 $0x32200, s16;
	s16 =	simm.s32 $0x2  }
0x15: {  	v0 =	vmov s20;
	s10 =	sadd.s32 $0x63200, s11;
	s11 =	sadd.s32 $0xC5200, s15;
	s15 =	sshrl.u32 s29, $0x3  }
.LBB2_1:
0x16: {  	[spmem:s15], [sflag:s8] =	dma.local [hbm:s7], $0x3100  }
0x17: {  	_ =	swait.ge [sflag:s16], $0x3100  }
0x18: {  	[sflag:s16] =	ssyncset.done $0x0  }
0x19: {  	[sflag:s16] =	ssyncadd.s32 $0xFFFFCF00  }
0x1a: {  	[spmem:s17], [sflag:s8] =	dma.local [hbm:s9], $0x620  }
0x1b: {  	_ =	swait.ge [sflag:s16], $0x620  }
0x1c: {  	[sflag:s16] =	ssyncset.done $0x0  }
0x1d: {  	[sflag:s16] =	ssyncadd.s32 $0xFFFFF9E0  }
0x1e: {  	[tilespmem:s18], [sflag:$0x2] =	stream.linear.gather [hbm4b:s6+s5], $0x400, $0x38;
	[tilespmem:$0x1DE00] =	vst v63  }
0x1f: {  	_ =	swait.ge [sflag:s16], $0x400  }
0x20: {  	p0 =	sgt.u32 s2, $0x1869;
	[sflag:s16] =	ssyncset.done $0x0  }
0x21: {  	s21 =	sadd.s32 @!p0 $0x0, s14;
	s23 =	simm.s32 @!p0 $0x0;
	[sflag:s16] =	ssyncadd.s32 $0xFFFFFC00  }
0x22: {  	s20 =	simm.s32 @!p0 $0x3;
	p0 =	por p0, p0;
	[bflag:$0x0] =	sbarrier.arrive $0xFFFF  }
0x23: {  	[tilespmem:s23], [sflag:$0x3] =	stream.linear.gather @!p0 [hbm4b:s21+s23], $0x80, $0x38;
	[tilespmem:$0x1DE00] =	vst v63  }
0x24: {  	_ =	swait.ge @!p0 [sflag:s20], $0x80  }
0x25: {  	s22 =	simm.s32 @!p0 $0x100;
	[sflag:s20] =	ssyncset.done @!p0 $0x0  }
0x26: {  	s24 =	simm.s32 @!p0 $0x1;
	s21 =	simm.s32 @!p0 $0x80;
	[sflag:s20] =	ssyncadd.s32 @!p0 $0xFFFFFF80  }
0x27: {  	[tilespmem:s22], [sflag:$0x1] =	stream.indirect.gather @!p0 [hbm4b:s1+s21], $0x40, s23, s21, $0xb8;
	[tilespmem:$0x1DE00] =	vst v63  }
0x28: {  	_ =	swait.ge @!p0 [sflag:s24], $0x2000  }
0x29: {  	[sflag:s24] =	ssyncset.done @!p0 $0x0  }
0x2a: {  	[sflag:s24] =	ssyncadd.s32 @!p0 $0xFFFFE000;
	s24 =	sadd.s32 @!p0 $0x0, s13  }
0x2b: {  	[tilespmem:s21], [sflag:$0x3] =	stream.linear.gather @!p0 [hbm4b:s24+s23], $0x80, $0x38;
	[tilespmem:$0x1DE00] =	vst v63  }
0x2c: {  	_ =	swait.ge @!p0 [sflag:s20], $0x80  }
0x2d: {  	[sflag:s20] =	ssyncset.done @!p0 $0x0  }
0x2e: {  	[sflag:s20] =	ssyncadd.s32 @!p0 $0xFFFFFF80  }
0x2f: {  	v1 =	vld @!p0 [tilespmem:$0xD0]  }
0x30: {  	v2 =	vld @!p0 [tilespmem:$0xB0]  }
0x31: {  	v3 =	vld @!p0 [tilespmem:$0xA0]  }
0x32: {  	v4 =	vld @!p0 [tilespmem:$0x90]  }
0x33: {  	v5 =	vld @!p0 [tilespmem:$0xC0]  }
0x34: {  	v6 =	vld @!p0 [tilespmem:$0x80];
	v1 =	vsub.s32 @!p0 v1, v0  }
0x35: {  	v7 =	vld @!p0 [tilespmem:$0xE0];
	v2 =	vsub.s32 @!p0 v2, v0;
	v1 =	vmin.u32 @!p0 v1, $0x61A8  }
0x36: {  	v8 =	vld @!p0 [tilespmem:$0xF0];
	v3 =	vsub.s32 @!p0 v3, v0;
	v2 =	vmin.u32 @!p0 v2, $0x61A8;
	[tilespmem:$0xD0] =	vst @!p0 v1  }
0x37: {  	v3 =	vmin.u32 @!p0 v3, $0x61A8;
	v1 =	vsub.s32 @!p0 v4, v0;
	[tilespmem:$0xB0] =	vst @!p0 v2  }
0x38: {  	[tilespmem:$0xA0] =	vst @!p0 v3;
	v2 =	vsub.s32 @!p0 v5, v0;
	v1 =	vmin.u32 @!p0 v1, $0x61A8  }
0x39: {  	v3 =	vsub.s32 @!p0 v6, v0;
	[tilespmem:$0x90] =	vst @!p0 v1;
	v1 =	vmin.u32 @!p0 v2, $0x61A8  }
0x3a: {  	v2 =	vmin.u32 @!p0 v3, $0x61A8;
	[tilespmem:$0xC0] =	vst @!p0 v1;
	v1 =	vsub.s32 @!p0 v7, v0  }
0x3b: {  	s23 =	simm.s32 $0x100;
	s24 =	stileid.u32;
	[tilespmem:$0x80] =	vst @!p0 v2;
	v2 =	vsub.s32 @!p0 v8, v0;
	v1 =	vmin.u32 @!p0 v1, $0x61A8  }
.LBB2_2:
0x3c: {  	[tilespmem:$0xE0] =	vst @!p0 v1;
	v1 =	vmin.u32 @!p0 v2, $0x61A8;
	s24 =	sadd.s32 $0x10, s24;
	s25 =	smov.u32 s23;
	s23 =	sadd.s32 $0x100, s23  }
0x3d: {  	p1 =	sne.s32 s23, $0x18700;
	[tilespmem:$0xF0] =	vst @!p0 v1  }
0x3e: {  	[spmem:s3] =	stream.indirect.scatter.add.f32 @!p0 [tilespmem:s22], [sflag:$0x3], $0x40, s21, s21, $0xb8;
	[tilespmem:$0x1DE00] =	vst v63  }
0x3f: {  	_ =	swait.ge @!p0 [sflag:s20], $0x2000  }
0x40: {  	s22 =	simm.s32 @!p0 $0x2;
	[sflag:s20] =	ssyncset.done @!p0 $0x0  }
0x41: {  	p2 =	sgt.u32 s24, $0x1869;
	[sflag:s20] =	ssyncadd.s32 @!p0 $0xFFFFE000;
	s20 =	simm.s32 @!p0 $0x2100  }
0x42: {  	[spmem:s4] =	stream.indirect.scatter.add.f32 @!p0 [tilespmem:s20], [sflag:$0x2], $0x8, s21, s21, $0xb8;
	[tilespmem:$0x1DE00] =	vst v63  }
0x43: {  	s26 =	simm.s32 @!p2 $0x0;
	s21 =	sadd.s32 @!p2 s25, s14;
	_ =	swait.ge @!p0 [sflag:s22], $0x400  }
0x44: {  	s20 =	simm.s32 @!p2 $0x3;
	[sflag:s22] =	ssyncset.done @!p0 $0x0  }
0x45: {  	[sflag:s22] =	ssyncadd.s32 @!p0 $0xFFFFFC00;
	p0 =	por p2, p2  }
0x46: {  	[tilespmem:s26], [sflag:$0x3] =	stream.linear.gather @!p0 [hbm4b:s21+s26], $0x80, $0x38;
	[tilespmem:$0x1DE00] =	vst v63  }
0x47: {  	s21 =	simm.s32 @!p0 $0x80;
	s22 =	simm.s32 @!p0 $0x100;
	_ =	swait.ge @!p0 [sflag:s20], $0x80  }
0x48: {  	[sflag:s20] =	ssyncset.done @!p0 $0x0  }
0x49: {  	s28 =	simm.s32 @!p0 $0x1;
	[sflag:s20] =	ssyncadd.s32 @!p0 $0xFFFFFF80  }
0x4a: {  	[tilespmem:s22], [sflag:$0x1] =	stream.indirect.gather @!p0 [hbm4b:s1+s21], $0x40, s26, s21, $0xb8;
	[tilespmem:$0x1DE00] =	vst v63  }
0x4b: {  	_ =	swait.ge @!p0 [sflag:s28], $0x2000  }
0x4c: {  	[sflag:s28] =	ssyncset.done @!p0 $0x0  }
0x4d: {  	s25 =	sadd.s32 @!p0 s25, s13;
	[sflag:s28] =	ssyncadd.s32 @!p0 $0xFFFFE000  }
0x4e: {  	[tilespmem:s21], [sflag:$0x3] =	stream.linear.gather @!p0 [hbm4b:s25+s26], $0x80, $0x38;
	[tilespmem:$0x1DE00] =	vst v63  }
0x4f: {  	_ =	swait.ge @!p0 [sflag:s20], $0x80  }
0x50: {  	[sflag:s20] =	ssyncset.done @!p0 $0x0  }
0x51: {  	[sflag:s20] =	ssyncadd.s32 @!p0 $0xFFFFFF80  }
0x52: {  	v1 =	vld @!p0 [tilespmem:$0xD0]  }
0x53: {  	v2 =	vld @!p0 [tilespmem:$0xB0]  }
0x54: {  	v3 =	vld @!p0 [tilespmem:$0xA0]  }
0x55: {  	v4 =	vld @!p0 [tilespmem:$0x90]  }
0x56: {  	v5 =	vld @!p0 [tilespmem:$0xC0]  }
0x57: {  	v6 =	vld @!p0 [tilespmem:$0x80];
	v1 =	vsub.s32 @!p0 v1, v0  }
0x58: {  	v2 =	vsub.s32 @!p0 v2, v0;
	v1 =	vmin.u32 @!p0 v1, $0x61A8;
	v7 =	vld @!p0 [tilespmem:$0xE0]  }
0x59: {  	v3 =	vsub.s32 @!p0 v3, v0;
	v2 =	vmin.u32 @!p0 v2, $0x61A8;
	[tilespmem:$0xD0] =	vst @!p0 v1;
	v8 =	vld @!p0 [tilespmem:$0xF0]  }
.Ltmp0:
0x5a: {  	v1 =	vsub.s32 @!p0 v4, v0;
	v3 =	vmin.u32 @!p0 v3, $0x61A8;
	[tilespmem:$0xB0] =	vst @!p0 v2;
	(pc) =	sbr.rel @p1 .LBB2_2-.Ltmp0, $4  }
0x5b: {  	v1 =	vmin.u32 @!p0 v1, $0x61A8;
	[tilespmem:$0xA0] =	vst @!p0 v3;
	v2 =	vsub.s32 @!p0 v5, v0  }
0x5c: {  	v3 =	vsub.s32 @!p0 v6, v0;
	[tilespmem:$0x90] =	vst @!p0 v1;
	v1 =	vmin.u32 @!p0 v2, $0x61A8  }
0x5d: {  	v2 =	vmin.u32 @!p0 v3, $0x61A8;
	[tilespmem:$0xC0] =	vst @!p0 v1;
	v1 =	vsub.s32 @!p0 v7, v0  }
0x5e: {  	[tilespmem:$0x80] =	vst @!p0 v2;
	v1 =	vmin.u32 @!p0 v1, $0x61A8;
	v2 =	vsub.s32 @!p0 v8, v0  }
0x5f: {  	[tilespmem:$0xE0] =	vst @!p0 v1;
	v1 =	vmin.u32 @!p0 v2, $0x61A8  }
0x60: {  	[tilespmem:$0xF0] =	vst @!p0 v1  }
0x61: {  	[spmem:s3] =	stream.indirect.scatter.add.f32 @!p0 [tilespmem:s22], [sflag:$0x3], $0x40, s21, s21, $0xb8;
	[tilespmem:$0x1DE00] =	vst v63  }
0x62: {  	_ =	swait.ge @!p0 [sflag:s20], $0x2000  }
0x63: {  	[sflag:s20] =	ssyncset.done @!p0 $0x0  }
0x64: {  	s22 =	simm.s32 @!p0 $0x2;
	[sflag:s20] =	ssyncadd.s32 @!p0 $0xFFFFE000;
	s20 =	simm.s32 @!p0 $0x2100  }
0x65: {  	[spmem:s4] =	stream.indirect.scatter.add.f32 @!p0 [tilespmem:s20], [sflag:$0x2], $0x8, s21, s21, $0xb8;
	[tilespmem:$0x1DE00] =	vst v63  }
0x66: {  	_ =	swait.ge @!p0 [sflag:s22], $0x400  }
0x67: {  	[sflag:s22] =	ssyncset.done @!p0 $0x0  }
0x68: {  	[sflag:s22] =	ssyncadd.s32 @!p0 $0xFFFFFC00  }
0x69: {  	[bflag:$0x0] =	sbarrier.arrive $0xFFFF  }
0x6a: {  	[hbm:s10], [sflag:s8] =	dma.local [spmem:s15], $0x3100  }
0x6b: {  	s19 =	sadd.s32 $0x1, s19;
	_ =	swait.ge [sflag:s16], $0x3100  }
0x6c: {  	p0 =	sne.s32 s19, s12;
	[sflag:s16] =	ssyncset.done $0x0  }
.Ltmp1:
0x6d: {  	[sflag:s16] =	ssyncadd.s32 $0xFFFFCF00;
	(pc) =	sbr.rel @p0 .LBB2_1-.Ltmp1, $4  }
0x6e: {  	[hbm:s11], [sflag:s8] =	dma.local [spmem:s17], $0x620  }
0x6f: {  	_ =	swait.ge [sflag:s16], $0x620  }
0x70: {  	[sflag:s16] =	ssyncset.done $0x0  }
0x71: {  	[sflag:s16] =	ssyncadd.s32 $0xFFFFF9E0  }
0x72: {  	_ =	sfence.sel $0x180000  }
0x73: {  	[bflag:$0x0] =	sbarrier.arrive $0xFFFF  }
0x74: {  	p0 =	sne.s32 s2, $0x0;
	_ =	strace $0x90000047  }
0x75: {  	s0 =	sadd.s32 @!p0 $0x100000, s0;
	[bflag:$0x2] =	sbarrier.arrive $0xFFFF  }
0x76: {  	[sflag:s0] =	ssyncadd.tile.s32 @!p0 $0x1;
	_ =	shalt  }
.Lfunc_end2:
_tile_overlayer_lowered:
.L_overlay_start_2:
0x77: {  	(tag) =	ssettag $0x2  }
0x78: {  	s0 =	rddreg [dreg:$0x0];
	s2 =	stileid.u32  }
0x79: {  	s1 =	rddreg [dreg:$0x1];
	p0 =	sne.s32 s2, $0x0  }
0x7a: {  	s3 =	rddreg [dreg:$0x2];
	[bflag:$0x3] =	sbarrier.arrive $0xFFFF;
	s2 =	simm.s32 @!p0 $0x1C02  }
0x7b: {  	[timem:s3], [sflag:s2] =	dma.local @!p0 [hbm:s0], s1  }
0x7c: {  	s0 =	simm.s32 @!p0 $0x2  }
0x7d: {  	_ =	swait.ge @!p0 [sflag:s0], s1  }
0x7e: {  	s1 =	ssub.s32 @!p0 $0x0, s1;
	[sflag:s0] =	ssyncset.done @!p0 $0x0  }
0x7f: {  	[sflag:s0] =	ssyncadd.s32 @!p0 s1  }
0x80: {  	[bflag:$0x3] =	sbarrier.arrive $0xFFFF  }
0x81: {  	_ =	shalt  }

// kernel: kernel.18.cloned.1.call-start
scs
__scs_entry_jumppad:
0x0: {  	(pc) =	sbr.rel $0x88, $3  }
0x1: {  	(tag) =	ssettag $0x0;
	lr =	simm.s32 $0x1  }
0x2: {  	[smem:$0x3F8D] =	sst lr;
	_ =	strace $0xD0000000  }
0x3: {  	_ = 	snop  }
0x4: {  	_ = 	snop  }
0x5: {  	_ = 	snop  }
0x6: {  	_ = 	snop  }
0x7: {  	_ = 	snop  }
__scs_overlays_trampoline_lowered:
0x8: {  	[smem:$0x3F9C] =	sst s0  }
0x9: {  	[smem:$0x3F9D] =	sst s1  }
0xa: {  	[smem:$0x3F9E] =	sst s2  }
0xb: {  	[smem:$0x3F9F] =	sst s3  }
0xc: {  	[smem:$0x3FA0] =	sst s4  }
0xd: {  	[smem:$0x3FA1] =	sst s5  }
0xe: {  	[smem:$0x3FA2] =	sst s6  }
0xf: {  	[smem:$0x3FA3] =	sst s7  }
0x10: {  	[smem:$0x3FA4] =	sst s8  }
0x11: {  	[smem:$0x3FA5] =	sst s9;
	s0 =	simm.s32 @!p0 $0x0  }
0x12: {  	s1 =	sld [smem:$0x3F8B];
	s0 =	simm.s32 @p0 $0x1  }
0x13: {  	[smem:$0x3FA6] =	sst s0;
	s0 =	simm.s32 @!p1 $0x0  }
0x14: {  	s2 =	sld [smem:$0x3F8A];
	s0 =	simm.s32 @p1 $0x1  }
0x15: {  	[smem:$0x3FA7] =	sst s0;
	s0 =	simm.s32 @!p2 $0x0  }
0x16: {  	s3 =	sld [smem:$0x3FDB];
	s0 =	simm.s32 @p2 $0x1  }
0x17: {  	s4 =	simm.s32 $0x1BF5;
	[smem:$0x3FA9] =	sst s0  }
0x18: {  	s0 =	sld [smem:$0x3F8C];
	_ =	swait.ge [sflag:s4], $0x0  }
0x19: {  	s7 =	sld [smem:$0x3F8D]  }
0x1a: {  	s8 =	sadd.s32 $0xFFFFE003, lr  }
0x1b: {  	s9 =	sadd.s32 $0xFFFFFEF7, lr;
	s5 =	simm.s32 $0xFFFFFFFF;
	p2 =	slt.u32 s8, $0xFFFFF086  }
0x1c: {  	p1 =	slt.u32 s9, $0xF7A;
	s5 =	simm.s32 @!p2 $0x0  }
0x1d: {  	s5 =	simm.s32 @p1 $0x1;
	p0 =	seq.s32 s7, s2  }
0x1e: {  	s7 =	smul.u32 @!p0 $0xF7A, s2;
	p2 =	seq.s32 @!p0 s5, $0x0  }
0x1f: {  	s9 =	smul.u32 $0xF7A, s1;
	s8 =	simm.s32 @!p0 $0x1BF5;
	p2 =	por !p2, p0  }
0x20: {  	[sflag:s8] =	ssyncset.s32 @!p0 $0xFFFFF086;
	s6 =	sadd.s32 @!p0 s3, s7;
	s7 =	simm.s32 @!p0 $0x108  }
0x21: {  	s3 =	sadd.s32 s3, s9;
	s6 =	sadd.s32 @!p0 $0x88, s6;
	s7 =	simm.s32 @p2 $0x1082  }
0x22: {  	[simem:s7], [sflag:s8] =	dma.local @!p0 [hbm:s6], $0xF7A  }
0x23: {  	s9 =	sor.u32 $0xD0000000, s2;
	s6 =	simm.s32 $0x108;
	_ =	swait.ge @!p0 [sflag:s8], $0x0  }
0x24: {  	s3 =	sadd.s32 $0x88, s3;
	s6 =	simm.s32 @!p1 $0x1082;
	[sflag:s4] =	ssyncset.s32 $0xFFFFF086  }
0x25: {  	[simem:s6], [sflag:s4] =	dma.local [hbm:s3], $0xF7A  }
0x26: {  	[smem:$0x3F8D] =	sst s1;
	(tag) =	ssettag s2;
	_ =	strace s9  }
0x27: {  	s1 =	sld [smem:$0x3F9D]  }
0x28: {  	s2 =	sld [smem:$0x3F9E]  }
0x29: {  	s4 =	sld [smem:$0x3FA0]  }
0x2a: {  	p0 =	seq.s32 s5, $0x0;
	s5 =	sld [smem:$0x3FA1]  }
0x2b: {  	s6 =	sld [smem:$0x3FA2]  }
0x2c: {  	s7 =	sld [smem:$0x3FA3]  }
0x2d: {  	s3 =	simm.s32 $0x108;
	s8 =	sld [smem:$0x3FA4]  }
0x2e: {  	s3 =	simm.s32 @!p0 $0x1082;
	s9 =	sld [smem:$0x3FA5]  }
0x2f: {  	lr =	sadd.s32 s0, s3;
	s0 =	sld [smem:$0x3F9C]  }
0x30: {  	s3 =	sld [smem:$0x3F9F]  }
0x31: {  	[smem:$0x3FA8] =	sst s10  }
0x32: {  	s10 =	sld [smem:$0x3FA6];
	_ =	sdelay $0x3  }
0x33: {  	p0 =	seq.s32 s10, $0x1;
	s10 =	sld [smem:$0x3FA8];
	_ =	sdelay $0x3  }
0x34: {  	[smem:$0x3FA8] =	sst s10  }
0x35: {  	s10 =	sld [smem:$0x3FA7];
	_ =	sdelay $0x3  }
0x36: {  	p1 =	seq.s32 s10, $0x1;
	s10 =	sld [smem:$0x3FA8];
	_ =	sdelay $0x3  }
0x37: {  	[smem:$0x3FA8] =	sst s10  }
0x38: {  	s10 =	sld [smem:$0x3FA9]  }
0x39: {  	_ = 	snop;
	(pc) =	sbr.ind lr, $3  }
0x3a: {  	_ = 	snop  }
0x3b: {  	_ = 	snop  }
0x3c: {  	p2 =	seq.s32 s10, $0x1;
	s10 =	sld [smem:$0x3FA8]  }
0x3d: {  	_ =	shalt  }
0x3e: {  	_ =	shalt  }
0x3f: {  	_ =	shalt  }
0x40: {  	_ =	shalt  }
0x41: {  	_ =	shalt  }
0x42: {  	_ =	shalt  }
0x43: {  	_ =	shalt  }
0x44: {  	_ =	shalt  }
0x45: {  	_ =	shalt  }
0x46: {  	_ =	shalt  }
0x47: {  	_ =	shalt  }
0x48: {  	_ =	shalt  }
0x49: {  	_ =	shalt  }
0x4a: {  	_ =	shalt  }
0x4b: {  	_ =	shalt  }
0x4c: {  	_ =	shalt  }
0x4d: {  	_ =	shalt  }
0x4e: {  	_ =	shalt  }
0x4f: {  	_ =	shalt  }
0x50: {  	_ =	shalt  }
0x51: {  	_ =	shalt  }
0x52: {  	_ =	shalt  }
0x53: {  	_ =	shalt  }
0x54: {  	_ =	shalt  }
0x55: {  	_ =	shalt  }
0x56: {  	_ =	shalt  }
0x57: {  	_ =	shalt  }
0x58: {  	_ =	shalt  }
0x59: {  	_ =	shalt  }
0x5a: {  	_ =	shalt  }
0x5b: {  	_ =	shalt  }
0x5c: {  	_ =	shalt  }
0x5d: {  	_ =	shalt  }
0x5e: {  	_ =	shalt  }
0x5f: {  	_ =	shalt  }
0x60: {  	_ =	shalt  }
0x61: {  	_ =	shalt  }
0x62: {  	_ =	shalt  }
0x63: {  	_ =	shalt  }
0x64: {  	_ =	shalt  }
0x65: {  	_ =	shalt  }
0x66: {  	_ =	shalt  }
0x67: {  	_ =	shalt  }
0x68: {  	_ =	shalt  }
0x69: {  	_ =	shalt  }
0x6a: {  	_ =	shalt  }
0x6b: {  	_ =	shalt  }
0x6c: {  	_ =	shalt  }
0x6d: {  	_ =	shalt  }
0x6e: {  	_ =	shalt  }
0x6f: {  	_ =	shalt  }
0x70: {  	_ =	shalt  }
0x71: {  	_ =	shalt  }
0x72: {  	_ =	shalt  }
0x73: {  	_ =	shalt  }
0x74: {  	_ =	shalt  }
0x75: {  	_ =	shalt  }
0x76: {  	_ =	shalt  }
0x77: {  	_ =	shalt  }
0x78: {  	_ =	shalt  }
0x79: {  	_ =	shalt  }
0x7a: {  	_ =	shalt  }
0x7b: {  	_ =	shalt  }
0x7c: {  	_ =	shalt  }
0x7d: {  	_ =	shalt  }
0x7e: {  	_ =	shalt  }
0x7f: {  	_ =	shalt  }
0x80: {  	_ =	shalt  }
0x81: {  	_ =	shalt  }
0x82: {  	_ =	shalt  }
0x83: {  	_ =	shalt  }
0x84: {  	_ =	shalt  }
0x85: {  	_ =	shalt  }
0x86: {  	_ =	shalt  }
0x87: {  	_ =	shalt  }
.Lfunc_end0:
.L_simem_size_0:
called_computation.2_lowered:
.L_overlay_start_0:
0x88: {  	s2 =	sld [smem:$0x3FD9]  }
0x89: {  	s3 =	sld [smem:$0x3FFE];
	_ =	sdelay $0x1  }
0x8a: {  	s1 =	srdreg.scid  }
0x8b: {  	s0 =	sand.u32 $0x1, s1  }
0x8c: {  	s17 =	sshll.u32 s0, $0xA;
	s2 =	sadd.s32 s3, s2  }
0x8d: {  	s2 =	sadd.s32 s2, s17  }
0x8e: {  	[smem:$0x3FB4] =	sst s2  }
0x8f: {  	_ = 	snop  }
0x90: {  	s18 =	sld [smem:$0x3FC7]  }
0x91: {  	s4 =	sld [smem:$0x3FC6];
	(tm) =	ssettm $0x1  }
0x92: {  	s19 =	sld [smem:$0x3FFB];
	_ =	sdelay $0x3  }
0x93: {  	_ =	strace s19  }
0x94: {  	s2 =	sld [smem:$0x3FFC];
	_ =	sdelay $0x3  }
0x95: {  	_ =	strace s2  }
0x96: {  	s2 =	sld [smem:$0x3FFD];
	_ =	sdelay $0x3  }
0x97: {  	_ =	strace s2  }
0x98: {  	_ =	strace $0x8FFFFFFF  }
0x99: {  	s20 =	sld [smem:$0x3FDB];
	_ =	sdelay $0x1  }
0x9a: {  	s5 =	simm.s32 $_scs_section_size  }
0x9b: {  	s6 =	simm.s32 $_size__tile_overlayer_lowered;
	s7 =	simm.s32 $_tile_overlayer_lowered  }
0x9c: {  	s8 =	simm.s32 $0x1BFF;
	s21 =	sshll.u32 s7, $0x1;
	s5 =	sadd.s32 s5, s20  }
0x9d: {  	s22 =	simm.s32 $0x0;
	s6 =	sshll.u32 s6, $0x1;
	s7 =	sadd.s32 s21, s5  }
0x9e: {  	[timem:s22], [sflag:s8] =	dma.local [hbm:s7], s6  }
0x9f: {  	_ =	swait.ge [sflag:s8], s6  }
0xa0: {  	s6 =	ssub.s32 $0x0, s6;
	[sflag:s8] =	ssyncset.done $0x0  }
0xa1: {  	[sflag:s8] =	ssyncadd.s32 s6;
	_ =	sdelay $0x1  }
0xa2: {  	s23 =	simm.s32 $0x1B8B  }
0xa3: {  	_ =	swait.ge [sflag:s23], $0x1  }
0xa4: {  	[sflag:s23] =	ssyncset.done $0x0  }
0xa5: {  	[sflag:s23] =	ssyncadd.s32 $0xFFFFFFFF  }
0xa6: {  	s6 =	sld [smem:$0x0]  }
0xa7: {  	s7 =	sand.u32 $0xFFFFFFFE, s1  }
0xa8: {  	p0 =	sne.s32 s1, s7  }
0xa9: {  	s7 =	sshll.u32 @p0 s7, $0xE  }
0xaa: {  	s7 =	sadd.s32 @p0 $0x11B8D, s7;
	s8 =	sshll.u32 @p0 s6, $0x11  }
0xab: {  	s7 =	sor.u32 @p0 s8, s7  }
0xac: {  	[sflag:s7] =	ssyncadd.remote.s32 @p0 $0x1;
	_ =	sdelay $0x1  }
0xad: {  	s7 =	simm.s32 @p0 $0x1B8D  }
0xae: {  	_ =	swait.eq @p0 [sflag:s7], $0x1  }
0xaf: {  	[sflag:s7] =	ssyncadd.s32 @p0 $0xFFFFFFFF  }
0xb0: {  	s8 =	sshll.u32 @!p0 s1, $0xE  }
0xb1: {  	s8 =	sor.u32 @!p0 $0x4000, s8;
	s7 =	simm.s32 @!p0 $0x1B8D  }
0xb2: {  	s6 =	sshll.u32 @!p0 s6, $0x11;
	s8 =	sadd.s32 @!p0 $0x11B8D, s8;
	_ =	swait.eq @!p0 [sflag:s7], $0x1  }
0xb3: {  	s6 =	sor.u32 @!p0 s6, s8;
	[sflag:s7] =	ssyncadd.s32 @!p0 $0xFFFFFFFF  }
0xb4: {  	s25 =	simm.s32 $0x1B8E;
	s24 =	sld [smem:$0x3FFE];
	[sflag:s6] =	ssyncadd.remote.s32 @!p0 $0x1  }
0xb5: {  	s26 =	simm.s32 $execute0_lowered;
	[smem:$0x3FD2] =	sst s25  }
0xb6: {  	s7 =	sshll.u32 s26, $0x1;
	_ =	strace $0x8000004C;
	[dreg:$0x1] =	wrdreg $0xFFFFFFFF  }
0xb7: {  	s28 =	simm.s32 $_size_execute0_lowered;
	s5 =	sadd.s32 s5, s7;
	[dreg:$0x0] =	wrdreg $0x0  }
0xb8: {  	s7 =	sshll.u32 s28, $0x1;
	[dreg:$0x2] =	wrdreg s5  }
0xb9: {  	[dreg:$0x3] =	wrdreg s7  }
0xba: {  	[dreg:$0x4] =	wrdreg $0xC0  }
0xbb: {  	_ =	task [dreg:s22], $0x5FFFF  }
0xbc: {  	[dreg:$0x1] =	wrdreg $0xFFFFFFFF  }
0xbd: {  	[dreg:$0x0] =	wrdreg $0x60  }
0xbe: {  	[dreg:$0x2] =	wrdreg s24  }
0xbf: {  	[dreg:$0x3] =	wrdreg s18  }
0xc0: {  	[dreg:$0x4] =	wrdreg s4  }
0xc1: {  	[dreg:$0x5] =	wrdreg $0x21000  }
0xc2: {  	[dreg:$0x6] =	wrdreg $0xA  }
0xc3: {  	_ =	task.clear_ibuf [dreg:s22], $0x7FFFF;
	_ =	strace $0x9000004C  }
0xc4: {  	s29 =	simm.s32 $0xA;
	_ =	strace $0x8000004E  }
0xc5: {  	_ =	swait.ge [sflag:s29], $0x1  }
0xc6: {  	[sflag:s29] =	ssyncadd.s32 $0xFFFFFFFF  }
0xc7: {  	_ =	strace $0x9000004E  }
0xc8: {  	_ =	sfence  }
0xc9: {  	s30 =	sld [smem:$0x0];
	_ =	sdelay $0x2  }
0xca: {  	s31 =	sshll.u32 s1, $0xD;
	s1 =	sshrl.u32 s1, $0x2  }
0xcb: {  	s4 =	sand.u32 $0x4000, s31;
	s1 =	sadd.s32 s1, s30  }
0xcc: {  	s0 =	sor.u32 s4, s0;
	s1 =	sshll.u32 s1, $0x11  }
0xcd: {  	s0 =	sor.u32 s1, s0  }
0xce: {  	s0 =	sadd.s32 $0x8F2B, s0  }
0xcf: {  	[sflag:s0] =	ssyncadd.remote.s32 $0x1  }
0xd0: {  	_ =	sfence.sel $0xFFFF  }
0xd1: {  	[dreg:$0x0] =	wrdreg $0xFFFFFFFF;
	(pc) =	sbr.abs _section_cstart, $3  }
0xd2: {  	[dreg:$0x1] =	wrdreg $0xFFFFFFFF  }
0xd3: {  	_ =	task.clear_ibuf [dreg:s22], $0x2FFFF;
	_ =	strace $0x9FFFFFFF  }
0xd4: {  	(tm) =	ssettm $0x7FFFFFFF  }
0xd5: {  	_ =	shalt  }
tec
execute0_lowered:
.L_overlay_start_1:
0x0: {  	(tag) =	ssettag $0x1  }
0x1: {  	s5 =	rddreg [dreg:$0x0]  }
0x2: {  	s11 =	rddreg [dreg:$0x1]  }
0x3: {  	s9 =	rddreg [dreg:$0x2]  }
0x4: {  	s2 =	rddreg [dreg:$0x3]  }
0x5: {  	s0 =	rddreg [dreg:$0x4]  }
0x6: {  	s1 =	stileid.u32;
	s4 =	srdreg.scid  }
0x7: {  	s3 =	simm.s32 $0x0;
	s6 =	smul.u32 $0xA000, s1;
	s10 =	sand.u32 $0x1, s4  }
0x8: {  	[smem:$0x7FF] =	sst s3;
	s4 =	sadd.s32 $0x1C1C00, s5;
	s29 =	sshll.u32 s1, $0x6  }
0x9: {  	s30 =	sshll.u32 s1, $0x5;
	s7 =	smul.u32 $0xA0000, s10;
	_ =	strace $0x8000004D  }
0xa: {  	s8 =	ssub.s32 $0x2, s10;
	s31 =	sadd.s32 s30, s9;
	s16 =	sshll.u32 s10, $0x4  }
0xb: {  	s11 =	sadd.s32 s30, s11;
	s12 =	sshrl.u32 s6, $0x3;
	s13 =	sshrl.u32 s8, $0x1  }
0xc: {  	s15 =	sadd.s32 s6, s2;
	s10 =	sadd.s32 s16, s31;
	s11 =	sadd.s32 s16, s11  }
0xd: {  	s7 =	sadd.s32 s6, s7;
	s12 =	sadd.s32 s12, s5;
	s13 =	ssub.s32 s8, s13  }
0xe: {  	s7 =	sshrl.u32 s7, $0x3;
	s6 =	sadd.s32 $0x32200, s12;
	s9 =	smax.u32 s13, $0x1  }
0xf: {  	s12 =	sshrl.u32 s15, $0x3;
	s13 =	simm.s32 $0x2;
	s14 =	sadd.s32 s7, s5  }
0x10: {  	s5 =	sshll.u32 s1, $0x1;
	s7 =	sor.u32 $0x1C02, s29;
	s8 =	sadd.s32 $0x223800, s14  }
.LBB2_1:
0x11: {  	[spmem:s12], [sflag:s7] =	dma.local [hbm:s6], $0x1400  }
0x12: {  	_ =	swait.ge [sflag:s13], $0x1400  }
0x13: {  	p0 =	sgt.u32 s5, $0x1869;
	[sflag:s13] =	ssyncset.done $0x0  }
0x14: {  	s14 =	sadd.s32 @!p0 $0x0, s11;
	[sflag:s13] =	ssyncadd.s32 $0xFFFFEC00  }
0x15: {  	s15 =	simm.s32 @!p0 $0x0;
	s16 =	simm.s32 @!p0 $0x3;
	[bflag:$0x0] =	sbarrier.arrive $0xFFFF  }
0x16: {  	[tilespmem:s15], [sflag:$0x3] =	stream.linear.gather @!p0 [hbm4b:s14+s15], $0x80, $0x38;
	[tilespmem:$0xC100] =	vst v63  }
0x17: {  	_ =	swait.ge @!p0 [sflag:s16], $0x80;
	p0 =	por p0, p0  }
0x18: {  	[sflag:s16] =	ssyncset.done @!p0 $0x0;
	s14 =	simm.s32 @!p0 $0x1  }
0x19: {  	s17 =	simm.s32 @!p0 $0x80;
	s18 =	simm.s32 @!p0 $0x100;
	[sflag:s16] =	ssyncadd.s32 @!p0 $0xFFFFFF80  }
0x1a: {  	[tilespmem:s18], [sflag:$0x1] =	stream.indirect.gather @!p0 [hbm4b:s4+s17], $0x40, s15, s17, $0xb8;
	[tilespmem:$0xC100] =	vst v63  }
0x1b: {  	_ =	swait.ge @!p0 [sflag:s14], $0x2000  }
0x1c: {  	[sflag:s14] =	ssyncset.done @!p0 $0x0  }
0x1d: {  	[sflag:s14] =	ssyncadd.s32 @!p0 $0xFFFFE000;
	s14 =	sadd.s32 @!p0 $0x0, s10  }
0x1e: {  	[tilespmem:s17], [sflag:$0x3] =	stream.linear.gather @!p0 [hbm4b:s14+s15], $0x80, $0x38;
	[tilespmem:$0xC100] =	vst v63  }
0x1f: {  	_ =	swait.ge @!p0 [sflag:s16], $0x80  }
0x20: {  	[sflag:s16] =	ssyncset.done @!p0 $0x0  }
0x21: {  	[sflag:s16] =	ssyncadd.s32 @!p0 $0xFFFFFF80  }
0x22: {  	[spmem:s2] =	stream.indirect.scatter.add.f32 @!p0 [tilespmem:s18], [sflag:$0x2], $0x40, s17, s17, $0xb8;
	[tilespmem:$0xC100] =	vst v63  }
0x23: {  	s14 =	simm.s32 $0x200;
	s15 =	sadd.s32 $0x20, s5;
	s17 =	simm.s32 @!p0 $0x2  }
0x24: {  	p2 =	sgt.u32 s15, $0x1869;
	s16 =	simm.s32 $0x400;
	_ =	swait.ge @!p0 [sflag:s17], $0x2000  }
.LBB2_2:
0x25: {  	s18 =	sadd.s32 @!p2 s14, s11  }
0x26: {  	s19 =	simm.s32 @!p2 $0x0;
	[sflag:s17] =	ssyncset.done @!p0 $0x0;
	s20 =	smov.u32 s16  }
0x27: {  	s16 =	sadd.s32 $0x200, s16;
	s21 =	simm.s32 @!p2 $0x3;
	[sflag:s17] =	ssyncadd.s32 @!p0 $0xFFFFE000  }
0x28: {  	[tilespmem:s19], [sflag:$0x3] =	stream.linear.gather @!p2 [hbm4b:s18+s19], $0x80, $0x38;
	[tilespmem:$0xC100] =	vst v63  }
0x29: {  	p1 =	sne.s32 s16, $0x18800;
	p0 =	por p2, p2;
	_ =	swait.ge @!p2 [sflag:s21], $0x80  }
0x2a: {  	s17 =	simm.s32 @!p0 $0x1;
	[sflag:s21] =	ssyncset.done @!p0 $0x0  }
0x2b: {  	s18 =	simm.s32 @!p0 $0x80;
	s22 =	simm.s32 @!p0 $0x100;
	[sflag:s21] =	ssyncadd.s32 @!p0 $0xFFFFFF80  }
0x2c: {  	[tilespmem:s22], [sflag:$0x1] =	stream.indirect.gather @!p0 [hbm4b:s4+s18], $0x40, s19, s18, $0xb8;
	[tilespmem:$0xC100] =	vst v63  }
0x2d: {  	_ =	swait.ge @!p0 [sflag:s17], $0x2000  }
0x2e: {  	[sflag:s17] =	ssyncset.done @!p0 $0x0  }
0x2f: {  	[sflag:s17] =	ssyncadd.s32 @!p0 $0xFFFFE000;
	s17 =	sadd.s32 @!p0 s14, s10;
	s14 =	smov.u32 s20  }
0x30: {  	[tilespmem:s18], [sflag:$0x3] =	stream.linear.gather @!p0 [hbm4b:s17+s19], $0x80, $0x38;
	[tilespmem:$0xC100] =	vst v63  }
.Ltmp0:
0x31: {  	_ =	swait.ge @!p0 [sflag:s21], $0x80;
	(pc) =	sbr.rel @p1 .LBB2_2-.Ltmp0, $4  }
0x32: {  	[sflag:s21] =	ssyncset.done @!p0 $0x0  }
0x33: {  	s15 =	sadd.s32 $0x20, s15;
	s17 =	simm.s32 @!p0 $0x2;
	[sflag:s21] =	ssyncadd.s32 @!p0 $0xFFFFFF80  }
0x34: {  	[spmem:s2] =	stream.indirect.scatter.add.f32 @!p0 [tilespmem:s22], [sflag:$0x2], $0x40, s18, s18, $0xb8;
	[tilespmem:$0xC100] =	vst v63  }
0x35: {  	p2 =	sgt.u32 s15, $0x1869;
	_ =	swait.ge @!p0 [sflag:s17], $0x2000  }
0x36: {  	s15 =	sadd.s32 @!p2 s14, s11;
	[sflag:s17] =	ssyncset.done @!p0 $0x0  }
0x37: {  	s16 =	simm.s32 @!p2 $0x0;
	s18 =	simm.s32 @!p2 $0x3;
	[sflag:s17] =	ssyncadd.s32 @!p0 $0xFFFFE000  }
0x38: {  	[tilespmem:s16], [sflag:$0x3] =	stream.linear.gather @!p2 [hbm4b:s15+s16], $0x80, $0x38;
	[tilespmem:$0xC100] =	vst v63  }
0x39: {  	p0 =	por p2, p2;
	_ =	swait.ge @!p2 [sflag:s18], $0x80  }
0x3a: {  	s15 =	simm.s32 @!p0 $0x1;
	[sflag:s18] =	ssyncset.done @!p0 $0x0  }
0x3b: {  	s17 =	simm.s32 @!p0 $0x80;
	s19 =	simm.s32 @!p0 $0x100;
	[sflag:s18] =	ssyncadd.s32 @!p0 $0xFFFFFF80  }
0x3c: {  	[tilespmem:s19], [sflag:$0x1] =	stream.indirect.gather @!p0 [hbm4b:s4+s17], $0x40, s16, s17, $0xb8;
	[tilespmem:$0xC100] =	vst v63  }
0x3d: {  	_ =	swait.ge @!p0 [sflag:s15], $0x2000  }
0x3e: {  	[sflag:s15] =	ssyncset.done @!p0 $0x0  }
0x3f: {  	s14 =	sadd.s32 @!p0 s14, s10;
	[sflag:s15] =	ssyncadd.s32 @!p0 $0xFFFFE000  }
0x40: {  	[tilespmem:s17], [sflag:$0x3] =	stream.linear.gather @!p0 [hbm4b:s14+s16], $0x80, $0x38;
	[tilespmem:$0xC100] =	vst v63  }
0x41: {  	_ =	swait.ge @!p0 [sflag:s18], $0x80  }
0x42: {  	[sflag:s18] =	ssyncset.done @!p0 $0x0  }
0x43: {  	s14 =	simm.s32 @!p0 $0x2;
	[sflag:s18] =	ssyncadd.s32 @!p0 $0xFFFFFF80  }
0x44: {  	[spmem:s2] =	stream.indirect.scatter.add.f32 @!p0 [tilespmem:s19], [sflag:$0x2], $0x40, s17, s17, $0xb8;
	[tilespmem:$0xC100] =	vst v63  }
0x45: {  	_ =	swait.ge @!p0 [sflag:s14], $0x2000  }
0x46: {  	s3 =	sadd.s32 $0x1, s3;
	[sflag:s14] =	ssyncset.done @!p0 $0x0  }
0x47: {  	[sflag:s14] =	ssyncadd.s32 @!p0 $0xFFFFE000;
	p0 =	sne.s32 s3, s9  }
.Ltmp1:
0x48: {  	[bflag:$0x0] =	sbarrier.arrive $0xFFFF;
	(pc) =	sbr.rel @p0 .LBB2_1-.Ltmp1, $4  }
0x49: {  	[hbm:s8], [sflag:s7] =	dma.local [spmem:s12], $0x1400  }
0x4a: {  	_ =	swait.ge [sflag:s13], $0x1400  }
0x4b: {  	[sflag:s13] =	ssyncset.done $0x0  }
0x4c: {  	[sflag:s13] =	ssyncadd.s32 $0xFFFFEC00  }
0x4d: {  	_ =	sfence.sel $0x180000  }
0x4e: {  	[bflag:$0x0] =	sbarrier.arrive $0xFFFF  }
0x4f: {  	p0 =	sne.s32 s1, $0x0;
	_ =	strace $0x9000004D  }
0x50: {  	s0 =	sadd.s32 @!p0 $0x100000, s0;
	[bflag:$0x2] =	sbarrier.arrive $0xFFFF  }
0x51: {  	[sflag:s0] =	ssyncadd.tile.s32 @!p0 $0x1;
	_ =	shalt  }
.Lfunc_end2:
_tile_overlayer_lowered:
.L_overlay_start_2:
0x52: {  	(tag) =	ssettag $0x2  }
0x53: {  	s0 =	rddreg [dreg:$0x0];
	s2 =	stileid.u32  }
0x54: {  	s1 =	rddreg [dreg:$0x1];
	p0 =	sne.s32 s2, $0x0  }
0x55: {  	s3 =	rddreg [dreg:$0x2];
	[bflag:$0x3] =	sbarrier.arrive $0xFFFF;
	s2 =	simm.s32 @!p0 $0x1C02  }
0x56: {  	[timem:s3], [sflag:s2] =	dma.local @!p0 [hbm:s0], s1  }
0x57: {  	s0 =	simm.s32 @!p0 $0x2  }
0x58: {  	_ =	swait.ge @!p0 [sflag:s0], s1  }
0x59: {  	s1 =	ssub.s32 @!p0 $0x0, s1;
	[sflag:s0] =	ssyncset.done @!p0 $0x0  }
0x5a: {  	[sflag:s0] =	ssyncadd.s32 @!p0 s1  }
0x5b: {  	[bflag:$0x3] =	sbarrier.arrive $0xFFFF  }
0x5c: {  	_ =	shalt  }

// kernel: kernel.21.cloned.1.call-start
scs
__scs_entry_jumppad:
0x0: {  	(pc) =	sbr.rel $0x88, $3  }
0x1: {  	(tag) =	ssettag $0x0;
	lr =	simm.s32 $0x1  }
0x2: {  	[smem:$0x3F8D] =	sst lr;
	_ =	strace $0xD0000000  }
0x3: {  	_ = 	snop  }
0x4: {  	_ = 	snop  }
0x5: {  	_ = 	snop  }
0x6: {  	_ = 	snop  }
0x7: {  	_ = 	snop  }
__scs_overlays_trampoline_lowered:
0x8: {  	[smem:$0x3F9C] =	sst s0  }
0x9: {  	[smem:$0x3F9D] =	sst s1  }
0xa: {  	[smem:$0x3F9E] =	sst s2  }
0xb: {  	[smem:$0x3F9F] =	sst s3  }
0xc: {  	[smem:$0x3FA0] =	sst s4  }
0xd: {  	[smem:$0x3FA1] =	sst s5  }
0xe: {  	[smem:$0x3FA2] =	sst s6  }
0xf: {  	[smem:$0x3FA3] =	sst s7  }
0x10: {  	[smem:$0x3FA4] =	sst s8  }
0x11: {  	[smem:$0x3FA5] =	sst s9;
	s0 =	simm.s32 @!p0 $0x0  }
0x12: {  	s1 =	sld [smem:$0x3F8B];
	s0 =	simm.s32 @p0 $0x1  }
0x13: {  	[smem:$0x3FA6] =	sst s0;
	s0 =	simm.s32 @!p1 $0x0  }
0x14: {  	s2 =	sld [smem:$0x3F8A];
	s0 =	simm.s32 @p1 $0x1  }
0x15: {  	[smem:$0x3FA7] =	sst s0;
	s0 =	simm.s32 @!p2 $0x0  }
0x16: {  	s3 =	sld [smem:$0x3FDB];
	s0 =	simm.s32 @p2 $0x1  }
0x17: {  	s4 =	simm.s32 $0x1BF5;
	[smem:$0x3FA9] =	sst s0  }
0x18: {  	s0 =	sld [smem:$0x3F8C];
	_ =	swait.ge [sflag:s4], $0x0  }
0x19: {  	s7 =	sld [smem:$0x3F8D]  }
0x1a: {  	s8 =	sadd.s32 $0xFFFFE003, lr  }
0x1b: {  	s9 =	sadd.s32 $0xFFFFFEF7, lr;
	s5 =	simm.s32 $0xFFFFFFFF;
	p2 =	slt.u32 s8, $0xFFFFF086  }
0x1c: {  	p1 =	slt.u32 s9, $0xF7A;
	s5 =	simm.s32 @!p2 $0x0  }
0x1d: {  	s5 =	simm.s32 @p1 $0x1;
	p0 =	seq.s32 s7, s2  }
0x1e: {  	s7 =	smul.u32 @!p0 $0xF7A, s2;
	p2 =	seq.s32 @!p0 s5, $0x0  }
0x1f: {  	s9 =	smul.u32 $0xF7A, s1;
	s8 =	simm.s32 @!p0 $0x1BF5;
	p2 =	por !p2, p0  }
0x20: {  	[sflag:s8] =	ssyncset.s32 @!p0 $0xFFFFF086;
	s6 =	sadd.s32 @!p0 s3, s7;
	s7 =	simm.s32 @!p0 $0x108  }
0x21: {  	s3 =	sadd.s32 s3, s9;
	s6 =	sadd.s32 @!p0 $0x88, s6;
	s7 =	simm.s32 @p2 $0x1082  }
0x22: {  	[simem:s7], [sflag:s8] =	dma.local @!p0 [hbm:s6], $0xF7A  }
0x23: {  	s9 =	sor.u32 $0xD0000000, s2;
	s6 =	simm.s32 $0x108;
	_ =	swait.ge @!p0 [sflag:s8], $0x0  }
0x24: {  	s3 =	sadd.s32 $0x88, s3;
	s6 =	simm.s32 @!p1 $0x1082;
	[sflag:s4] =	ssyncset.s32 $0xFFFFF086  }
0x25: {  	[simem:s6], [sflag:s4] =	dma.local [hbm:s3], $0xF7A  }
0x26: {  	[smem:$0x3F8D] =	sst s1;
	(tag) =	ssettag s2;
	_ =	strace s9  }
0x27: {  	s1 =	sld [smem:$0x3F9D]  }
0x28: {  	s2 =	sld [smem:$0x3F9E]  }
0x29: {  	s4 =	sld [smem:$0x3FA0]  }
0x2a: {  	p0 =	seq.s32 s5, $0x0;
	s5 =	sld [smem:$0x3FA1]  }
0x2b: {  	s6 =	sld [smem:$0x3FA2]  }
0x2c: {  	s7 =	sld [smem:$0x3FA3]  }
0x2d: {  	s3 =	simm.s32 $0x108;
	s8 =	sld [smem:$0x3FA4]  }
0x2e: {  	s3 =	simm.s32 @!p0 $0x1082;
	s9 =	sld [smem:$0x3FA5]  }
0x2f: {  	lr =	sadd.s32 s0, s3;
	s0 =	sld [smem:$0x3F9C]  }
0x30: {  	s3 =	sld [smem:$0x3F9F]  }
0x31: {  	[smem:$0x3FA8] =	sst s10  }
0x32: {  	s10 =	sld [smem:$0x3FA6];
	_ =	sdelay $0x3  }
0x33: {  	p0 =	seq.s32 s10, $0x1;
	s10 =	sld [smem:$0x3FA8];
	_ =	sdelay $0x3  }
0x34: {  	[smem:$0x3FA8] =	sst s10  }
0x35: {  	s10 =	sld [smem:$0x3FA7];
	_ =	sdelay $0x3  }
0x36: {  	p1 =	seq.s32 s10, $0x1;
	s10 =	sld [smem:$0x3FA8];
	_ =	sdelay $0x3  }
0x37: {  	[smem:$0x3FA8] =	sst s10  }
0x38: {  	s10 =	sld [smem:$0x3FA9]  }
0x39: {  	_ = 	snop;
	(pc) =	sbr.ind lr, $3  }
0x3a: {  	_ = 	snop  }
0x3b: {  	_ = 	snop  }
0x3c: {  	p2 =	seq.s32 s10, $0x1;
	s10 =	sld [smem:$0x3FA8]  }
0x3d: {  	_ =	shalt  }
0x3e: {  	_ =	shalt  }
0x3f: {  	_ =	shalt  }
0x40: {  	_ =	shalt  }
0x41: {  	_ =	shalt  }
0x42: {  	_ =	shalt  }
0x43: {  	_ =	shalt  }
0x44: {  	_ =	shalt  }
0x45: {  	_ =	shalt  }
0x46: {  	_ =	shalt  }
0x47: {  	_ =	shalt  }
0x48: {  	_ =	shalt  }
0x49: {  	_ =	shalt  }
0x4a: {  	_ =	shalt  }
0x4b: {  	_ =	shalt  }
0x4c: {  	_ =	shalt  }
0x4d: {  	_ =	shalt  }
0x4e: {  	_ =	shalt  }
0x4f: {  	_ =	shalt  }
0x50: {  	_ =	shalt  }
0x51: {  	_ =	shalt  }
0x52: {  	_ =	shalt  }
0x53: {  	_ =	shalt  }
0x54: {  	_ =	shalt  }
0x55: {  	_ =	shalt  }
0x56: {  	_ =	shalt  }
0x57: {  	_ =	shalt  }
0x58: {  	_ =	shalt  }
0x59: {  	_ =	shalt  }
0x5a: {  	_ =	shalt  }
0x5b: {  	_ =	shalt  }
0x5c: {  	_ =	shalt  }
0x5d: {  	_ =	shalt  }
0x5e: {  	_ =	shalt  }
0x5f: {  	_ =	shalt  }
0x60: {  	_ =	shalt  }
0x61: {  	_ =	shalt  }
0x62: {  	_ =	shalt  }
0x63: {  	_ =	shalt  }
0x64: {  	_ =	shalt  }
0x65: {  	_ =	shalt  }
0x66: {  	_ =	shalt  }
0x67: {  	_ =	shalt  }
0x68: {  	_ =	shalt  }
0x69: {  	_ =	shalt  }
0x6a: {  	_ =	shalt  }
0x6b: {  	_ =	shalt  }
0x6c: {  	_ =	shalt  }
0x6d: {  	_ =	shalt  }
0x6e: {  	_ =	shalt  }
0x6f: {  	_ =	shalt  }
0x70: {  	_ =	shalt  }
0x71: {  	_ =	shalt  }
0x72: {  	_ =	shalt  }
0x73: {  	_ =	shalt  }
0x74: {  	_ =	shalt  }
0x75: {  	_ =	shalt  }
0x76: {  	_ =	shalt  }
0x77: {  	_ =	shalt  }
0x78: {  	_ =	shalt  }
0x79: {  	_ =	shalt  }
0x7a: {  	_ =	shalt  }
0x7b: {  	_ =	shalt  }
0x7c: {  	_ =	shalt  }
0x7d: {  	_ =	shalt  }
0x7e: {  	_ =	shalt  }
0x7f: {  	_ =	shalt  }
0x80: {  	_ =	shalt  }
0x81: {  	_ =	shalt  }
0x82: {  	_ =	shalt  }
0x83: {  	_ =	shalt  }
0x84: {  	_ =	shalt  }
0x85: {  	_ =	shalt  }
0x86: {  	_ =	shalt  }
0x87: {  	_ =	shalt  }
.Lfunc_end0:
.L_simem_size_0:
called_computation.3_lowered:
.L_overlay_start_0:
0x88: {  	s2 =	sld [smem:$0x3FD9]  }
0x89: {  	s3 =	sld [smem:$0x3FFE];
	_ =	sdelay $0x1  }
0x8a: {  	s1 =	srdreg.scid  }
0x8b: {  	s0 =	sand.u32 $0x1, s1  }
0x8c: {  	s17 =	sshll.u32 s0, $0xA;
	s2 =	sadd.s32 s3, s2  }
0x8d: {  	s2 =	sadd.s32 s2, s17  }
0x8e: {  	[smem:$0x3FB4] =	sst s2  }
0x8f: {  	_ = 	snop  }
0x90: {  	s18 =	sld [smem:$0x3FC7]  }
0x91: {  	s4 =	sld [smem:$0x3FC6];
	(tm) =	ssettm $0x1  }
0x92: {  	s19 =	sld [smem:$0x3FFB];
	_ =	sdelay $0x3  }
0x93: {  	_ =	strace s19  }
0x94: {  	s2 =	sld [smem:$0x3FFC];
	_ =	sdelay $0x3  }
0x95: {  	_ =	strace s2  }
0x96: {  	s2 =	sld [smem:$0x3FFD];
	_ =	sdelay $0x3  }
0x97: {  	_ =	strace s2  }
0x98: {  	_ =	strace $0x8FFFFFFF  }
0x99: {  	s20 =	sld [smem:$0x3FDB];
	_ =	sdelay $0x1  }
0x9a: {  	s5 =	simm.s32 $_scs_section_size  }
0x9b: {  	s6 =	simm.s32 $_size__tile_overlayer_lowered;
	s7 =	simm.s32 $_tile_overlayer_lowered  }
0x9c: {  	s8 =	simm.s32 $0x1BFF;
	s21 =	sshll.u32 s7, $0x1;
	s5 =	sadd.s32 s5, s20  }
0x9d: {  	s22 =	simm.s32 $0x0;
	s6 =	sshll.u32 s6, $0x1;
	s7 =	sadd.s32 s21, s5  }
0x9e: {  	[timem:s22], [sflag:s8] =	dma.local [hbm:s7], s6  }
0x9f: {  	_ =	swait.ge [sflag:s8], s6  }
0xa0: {  	s6 =	ssub.s32 $0x0, s6;
	[sflag:s8] =	ssyncset.done $0x0  }
0xa1: {  	[sflag:s8] =	ssyncadd.s32 s6;
	_ =	sdelay $0x1  }
0xa2: {  	s23 =	simm.s32 $0x1B8B  }
0xa3: {  	_ =	swait.ge [sflag:s23], $0x1  }
0xa4: {  	[sflag:s23] =	ssyncset.done $0x0  }
0xa5: {  	[sflag:s23] =	ssyncadd.s32 $0xFFFFFFFF  }
0xa6: {  	s6 =	sld [smem:$0x0]  }
0xa7: {  	s7 =	sand.u32 $0xFFFFFFFE, s1  }
0xa8: {  	p0 =	sne.s32 s1, s7  }
0xa9: {  	s7 =	sshll.u32 @p0 s7, $0xE  }
0xaa: {  	s7 =	sadd.s32 @p0 $0x11B8D, s7;
	s8 =	sshll.u32 @p0 s6, $0x11  }
0xab: {  	s7 =	sor.u32 @p0 s8, s7  }
0xac: {  	[sflag:s7] =	ssyncadd.remote.s32 @p0 $0x1;
	_ =	sdelay $0x1  }
0xad: {  	s7 =	simm.s32 @p0 $0x1B8D  }
0xae: {  	_ =	swait.eq @p0 [sflag:s7], $0x1  }
0xaf: {  	[sflag:s7] =	ssyncadd.s32 @p0 $0xFFFFFFFF  }
0xb0: {  	s8 =	sshll.u32 @!p0 s1, $0xE  }
0xb1: {  	s8 =	sor.u32 @!p0 $0x4000, s8;
	s7 =	simm.s32 @!p0 $0x1B8D  }
0xb2: {  	s6 =	sshll.u32 @!p0 s6, $0x11;
	s8 =	sadd.s32 @!p0 $0x11B8D, s8;
	_ =	swait.eq @!p0 [sflag:s7], $0x1  }
0xb3: {  	s6 =	sor.u32 @!p0 s6, s8;
	[sflag:s7] =	ssyncadd.s32 @!p0 $0xFFFFFFFF  }
0xb4: {  	s25 =	simm.s32 $0x1B8E;
	s24 =	sld [smem:$0x3FFE];
	[sflag:s6] =	ssyncadd.remote.s32 @!p0 $0x1  }
0xb5: {  	s26 =	simm.s32 $execute0_lowered;
	[smem:$0x3FD2] =	sst s25  }
0xb6: {  	s7 =	sshll.u32 s26, $0x1;
	_ =	strace $0x8000004F;
	[dreg:$0x1] =	wrdreg $0xFFFFFFFF  }
0xb7: {  	s28 =	simm.s32 $_size_execute0_lowered;
	s5 =	sadd.s32 s5, s7;
	[dreg:$0x0] =	wrdreg $0x0  }
0xb8: {  	s7 =	sshll.u32 s28, $0x1;
	[dreg:$0x2] =	wrdreg s5  }
0xb9: {  	[dreg:$0x3] =	wrdreg s7  }
0xba: {  	[dreg:$0x4] =	wrdreg $0xC0  }
0xbb: {  	_ =	task [dreg:s22], $0x5FFFF  }
0xbc: {  	[dreg:$0x1] =	wrdreg $0xFFFFFFFF  }
0xbd: {  	[dreg:$0x0] =	wrdreg $0x60  }
0xbe: {  	[dreg:$0x2] =	wrdreg s24  }
0xbf: {  	[dreg:$0x3] =	wrdreg s4  }
0xc0: {  	[dreg:$0x4] =	wrdreg s18  }
0xc1: {  	[dreg:$0x5] =	wrdreg $0x21000  }
0xc2: {  	[dreg:$0x6] =	wrdreg $0x9  }
0xc3: {  	_ =	task.clear_ibuf [dreg:s22], $0x7FFFF;
	_ =	strace $0x9000004F  }
0xc4: {  	s29 =	simm.s32 $0x9;
	_ =	strace $0x80000051  }
0xc5: {  	_ =	swait.ge [sflag:s29], $0x1  }
0xc6: {  	[sflag:s29] =	ssyncadd.s32 $0xFFFFFFFF  }
0xc7: {  	_ =	strace $0x90000051  }
0xc8: {  	_ =	sfence  }
0xc9: {  	s30 =	sld [smem:$0x0];
	_ =	sdelay $0x2  }
0xca: {  	s31 =	sshll.u32 s1, $0xD;
	s1 =	sshrl.u32 s1, $0x2  }
0xcb: {  	s4 =	sand.u32 $0x4000, s31;
	s1 =	sadd.s32 s1, s30  }
0xcc: {  	s0 =	sor.u32 s4, s0;
	s1 =	sshll.u32 s1, $0x11  }
0xcd: {  	s0 =	sor.u32 s1, s0  }
0xce: {  	s0 =	sadd.s32 $0x8F2B, s0  }
0xcf: {  	[sflag:s0] =	ssyncadd.remote.s32 $0x1  }
0xd0: {  	_ =	sfence.sel $0xFFFF  }
0xd1: {  	[dreg:$0x0] =	wrdreg $0xFFFFFFFF;
	(pc) =	sbr.abs _section_cstart, $3  }
0xd2: {  	[dreg:$0x1] =	wrdreg $0xFFFFFFFF  }
0xd3: {  	_ =	task.clear_ibuf [dreg:s22], $0x2FFFF;
	_ =	strace $0x9FFFFFFF  }
0xd4: {  	(tm) =	ssettm $0x7FFFFFFF  }
0xd5: {  	_ =	shalt  }
tec
execute0_lowered:
.L_overlay_start_1:
0x0: {  	(tag) =	ssettag $0x1  }
0x1: {  	s5 =	rddreg [dreg:$0x0]  }
0x2: {  	s10 =	rddreg [dreg:$0x1]  }
0x3: {  	s9 =	rddreg [dreg:$0x2]  }
0x4: {  	s2 =	rddreg [dreg:$0x3]  }
0x5: {  	s0 =	rddreg [dreg:$0x4]  }
0x6: {  	s1 =	stileid.u32;
	s4 =	srdreg.scid  }
0x7: {  	s3 =	simm.s32 $0x0;
	s6 =	smul.u32 $0x18800, s1;
	s7 =	sand.u32 $0x1, s4  }
0x8: {  	[smem:$0x7FF] =	sst s3;
	s4 =	sadd.s32 $0x24B800, s5;
	s30 =	sshll.u32 s1, $0x6  }
0x9: {  	s14 =	sshll.u32 s1, $0x4;
	s8 =	smul.u32 $0x188000, s7;
	_ =	strace $0x80000050  }
0xa: {  	s11 =	ssub.s32 $0x2, s7;
	s31 =	smul.u32 $0x61A8, s7;
	s9 =	sadd.s32 s14, s9  }
0xb: {  	s10 =	sadd.s32 s14, s10;
	s12 =	sshrl.u32 s6, $0x3;
	s13 =	sshrl.u32 s11, $0x1  }
0xc: {  	s29 =	sadd.s32 s6, s2;
	s8 =	sadd.s32 s6, s8;
	s12 =	sadd.s32 s12, s5  }
0xd: {  	s11 =	ssub.s32 s11, s13;
	s6 =	sor.u32 $0x1C02, s30;
	s8 =	sshrl.u32 s8, $0x3  }
0xe: {  	s8 =	sadd.s32 s8, s5;
	s5 =	sadd.s32 $0x32200, s12;
	s12 =	simm.s32 $0x2  }
0xf: {  	v0 =	vmov s31;
	s7 =	sadd.s32 $0x25F200, s8;
	s8 =	smax.u32 s11, $0x1;
	s11 =	sshrl.u32 s29, $0x3  }
.LBB2_1:
0x10: {  	[spmem:s11], [sflag:s6] =	dma.local [hbm:s5], $0x3100  }
0x11: {  	_ =	swait.ge [sflag:s12], $0x3100  }
0x12: {  	p0 =	sgt.u32 s1, $0x1869;
	[sflag:s12] =	ssyncset.done $0x0  }
0x13: {  	s13 =	sadd.s32 @!p0 $0x0, s10;
	s15 =	simm.s32 @!p0 $0x0;
	[sflag:s12] =	ssyncadd.s32 $0xFFFFCF00  }
0x14: {  	s16 =	simm.s32 @!p0 $0x3;
	p0 =	por p0, p0;
	[bflag:$0x0] =	sbarrier.arrive $0xFFFF  }
0x15: {  	[tilespmem:s15], [sflag:$0x3] =	stream.linear.gather @!p0 [hbm4b:s13+s15], $0x80, $0x38;
	[tilespmem:$0x1A900] =	vst v63  }
0x16: {  	_ =	swait.ge @!p0 [sflag:s16], $0x80  }
0x17: {  	s17 =	simm.s32 @!p0 $0x1;
	[sflag:s16] =	ssyncset.done @!p0 $0x0  }
0x18: {  	s14 =	simm.s32 @!p0 $0x100;
	s13 =	simm.s32 @!p0 $0x80;
	[sflag:s16] =	ssyncadd.s32 @!p0 $0xFFFFFF80  }
0x19: {  	[tilespmem:s14], [sflag:$0x1] =	stream.indirect.gather @!p0 [hbm4b:s4+s13], $0x40, s15, s13, $0xb8;
	[tilespmem:$0x1A900] =	vst v63  }
0x1a: {  	_ =	swait.ge @!p0 [sflag:s17], $0x2000  }
0x1b: {  	[sflag:s17] =	ssyncset.done @!p0 $0x0  }
0x1c: {  	[sflag:s17] =	ssyncadd.s32 @!p0 $0xFFFFE000;
	s17 =	sadd.s32 @!p0 $0x0, s9  }
0x1d: {  	[tilespmem:s13], [sflag:$0x3] =	stream.linear.gather @!p0 [hbm4b:s17+s15], $0x80, $0x38;
	[tilespmem:$0x1A900] =	vst v63  }
0x1e: {  	_ =	swait.ge @!p0 [sflag:s16], $0x80  }
0x1f: {  	[sflag:s16] =	ssyncset.done @!p0 $0x0  }
0x20: {  	[sflag:s16] =	ssyncadd.s32 @!p0 $0xFFFFFF80  }
0x21: {  	v1 =	vld @!p0 [tilespmem:$0xD0]  }
0x22: {  	v3 =	vld @!p0 [tilespmem:$0xE0]  }
0x23: {  	s15 =	simm.s32 $0x100;
	s16 =	stileid.u32;
	v2 =	vld @!p0 [tilespmem:$0xF0]  }
.LBB2_2:
0x24: {  	v4 =	vld @!p0 [tilespmem:$0xB0];
	s16 =	sadd.s32 $0x10, s16;
	s17 =	smov.u32 s15;
	s15 =	sadd.s32 $0x100, s15  }
0x25: {  	p1 =	sne.s32 s15, $0x18700;
	v5 =	vld @!p0 [tilespmem:$0x90]  }
0x26: {  	v6 =	vld @!p0 [tilespmem:$0xA0]  }
0x27: {  	v7 =	vld @!p0 [tilespmem:$0x80];
	v3 =	vsub.s32 @!p0 v3, v0  }
0x28: {  	v1 =	vsub.s32 @!p0 v1, v0;
	v8 =	vld @!p0 [tilespmem:$0xC0];
	v3 =	vmin.u32 @!p0 v3, $0x61A8;
	v2 =	vsub.s32 @!p0 v2, v0  }
0x29: {  	v1 =	vmin.u32 @!p0 v1, $0x61A8;
	v4 =	vsub.s32 @!p0 v4, v0;
	[tilespmem:$0xE0] =	vst @!p0 v3;
	v2 =	vmin.u32 @!p0 v2, $0x61A8  }
0x2a: {  	p2 =	sgt.u32 s16, $0x1869;
	v3 =	vsub.s32 @!p0 v5, v0;
	v4 =	vmin.u32 @!p0 v4, $0x61A8;
	[tilespmem:$0xF0] =	vst @!p0 v2  }
0x2b: {  	v2 =	vmin.u32 @!p0 v3, $0x61A8;
	v3 =	vsub.s32 @!p0 v6, v0;
	[tilespmem:$0xD0] =	vst @!p0 v1  }
0x2c: {  	v1 =	vsub.s32 @!p0 v7, v0;
	v3 =	vmin.u32 @!p0 v3, $0x61A8;
	[tilespmem:$0xB0] =	vst @!p0 v4  }
0x2d: {  	v1 =	vmin.u32 @!p0 v1, $0x61A8;
	[tilespmem:$0x90] =	vst @!p0 v2;
	v2 =	vsub.s32 @!p0 v8, v0  }
0x2e: {  	[tilespmem:$0xA0] =	vst @!p0 v3;
	v2 =	vmin.u32 @!p0 v2, $0x61A8  }
0x2f: {  	[tilespmem:$0xC0] =	vst @!p0 v2  }
0x30: {  	s18 =	simm.s32 @!p0 $0x2;
	[tilespmem:$0x80] =	vst @!p0 v1  }
0x31: {  	[spmem:s2] =	stream.indirect.scatter.add.f32 @!p0 [tilespmem:s14], [sflag:$0x2], $0x40, s13, s13, $0xb8;
	[tilespmem:$0x1A900] =	vst v63  }
0x32: {  	s19 =	simm.s32 @!p2 $0x0;
	s13 =	sadd.s32 @!p2 s17, s10;
	_ =	swait.ge @!p0 [sflag:s18], $0x2000  }
0x33: {  	[sflag:s18] =	ssyncset.done @!p0 $0x0  }
0x34: {  	s20 =	simm.s32 @!p2 $0x3;
	[sflag:s18] =	ssyncadd.s32 @!p0 $0xFFFFE000;
	p0 =	por p2, p2  }
0x35: {  	[tilespmem:s19], [sflag:$0x3] =	stream.linear.gather @!p0 [hbm4b:s13+s19], $0x80, $0x38;
	[tilespmem:$0x1A900] =	vst v63  }
0x36: {  	_ =	swait.ge @!p0 [sflag:s20], $0x80  }
0x37: {  	s18 =	simm.s32 @!p0 $0x1;
	[sflag:s20] =	ssyncset.done @!p0 $0x0  }
0x38: {  	s13 =	simm.s32 @!p0 $0x80;
	s14 =	simm.s32 @!p0 $0x100;
	[sflag:s20] =	ssyncadd.s32 @!p0 $0xFFFFFF80  }
0x39: {  	[tilespmem:s14], [sflag:$0x1] =	stream.indirect.gather @!p0 [hbm4b:s4+s13], $0x40, s19, s13, $0xb8;
	[tilespmem:$0x1A900] =	vst v63  }
0x3a: {  	_ =	swait.ge @!p0 [sflag:s18], $0x2000  }
0x3b: {  	[sflag:s18] =	ssyncset.done @!p0 $0x0  }
0x3c: {  	s17 =	sadd.s32 @!p0 s17, s9;
	[sflag:s18] =	ssyncadd.s32 @!p0 $0xFFFFE000  }
0x3d: {  	[tilespmem:s13], [sflag:$0x3] =	stream.linear.gather @!p0 [hbm4b:s17+s19], $0x80, $0x38;
	[tilespmem:$0x1A900] =	vst v63  }
0x3e: {  	_ =	swait.ge @!p0 [sflag:s20], $0x80  }
.Ltmp0:
0x3f: {  	[sflag:s20] =	ssyncset.done @!p0 $0x0;
	(pc) =	sbr.rel @p1 .LBB2_2-.Ltmp0, $4  }
0x40: {  	[sflag:s20] =	ssyncadd.s32 @!p0 $0xFFFFFF80  }
0x41: {  	v1 =	vld @!p0 [tilespmem:$0xD0]  }
0x42: {  	v3 =	vld @!p0 [tilespmem:$0xE0]  }
0x43: {  	v2 =	vld @!p0 [tilespmem:$0xF0]  }
0x44: {  	v4 =	vld @!p0 [tilespmem:$0xB0]  }
0x45: {  	v5 =	vld @!p0 [tilespmem:$0x90]  }
0x46: {  	v6 =	vld @!p0 [tilespmem:$0xA0];
	v1 =	vsub.s32 @!p0 v1, v0  }
0x47: {  	v7 =	vld @!p0 [tilespmem:$0xC0];
	v3 =	vsub.s32 @!p0 v3, v0;
	v1 =	vmin.u32 @!p0 v1, $0x61A8  }
0x48: {  	v8 =	vld @!p0 [tilespmem:$0x80];
	v3 =	vmin.u32 @!p0 v3, $0x61A8;
	v2 =	vsub.s32 @!p0 v2, v0;
	[tilespmem:$0xD0] =	vst @!p0 v1  }
0x49: {  	[tilespmem:$0xE0] =	vst @!p0 v3;
	v2 =	vmin.u32 @!p0 v2, $0x61A8;
	v3 =	vsub.s32 @!p0 v4, v0  }
0x4a: {  	[tilespmem:$0xF0] =	vst @!p0 v2;
	v2 =	vsub.s32 @!p0 v5, v0;
	v3 =	vmin.u32 @!p0 v3, $0x61A8  }
0x4b: {  	v1 =	vmin.u32 @!p0 v2, $0x61A8;
	v2 =	vsub.s32 @!p0 v6, v0;
	[tilespmem:$0xB0] =	vst @!p0 v3  }
0x4c: {  	v2 =	vmin.u32 @!p0 v2, $0x61A8;
	[tilespmem:$0x90] =	vst @!p0 v1;
	v1 =	vsub.s32 @!p0 v7, v0  }
0x4d: {  	v3 =	vsub.s32 @!p0 v8, v0;
	[tilespmem:$0xA0] =	vst @!p0 v2;
	v1 =	vmin.u32 @!p0 v1, $0x61A8  }
0x4e: {  	v2 =	vmin.u32 @!p0 v3, $0x61A8;
	[tilespmem:$0xC0] =	vst @!p0 v1  }
0x4f: {  	s15 =	simm.s32 @!p0 $0x2;
	[tilespmem:$0x80] =	vst @!p0 v2  }
0x50: {  	[spmem:s2] =	stream.indirect.scatter.add.f32 @!p0 [tilespmem:s14], [sflag:$0x2], $0x40, s13, s13, $0xb8;
	[tilespmem:$0x1A900] =	vst v63  }
0x51: {  	_ =	swait.ge @!p0 [sflag:s15], $0x2000  }
0x52: {  	s3 =	sadd.s32 $0x1, s3;
	[sflag:s15] =	ssyncset.done @!p0 $0x0  }
0x53: {  	[sflag:s15] =	ssyncadd.s32 @!p0 $0xFFFFE000;
	p0 =	sne.s32 s3, s8  }
.Ltmp1:
0x54: {  	[bflag:$0x0] =	sbarrier.arrive $0xFFFF;
	(pc) =	sbr.rel @p0 .LBB2_1-.Ltmp1, $4  }
0x55: {  	[hbm:s7], [sflag:s6] =	dma.local [spmem:s11], $0x3100  }
0x56: {  	_ =	swait.ge [sflag:s12], $0x3100  }
0x57: {  	[sflag:s12] =	ssyncset.done $0x0  }
0x58: {  	[sflag:s12] =	ssyncadd.s32 $0xFFFFCF00  }
0x59: {  	_ =	sfence.sel $0x180000  }
0x5a: {  	[bflag:$0x0] =	sbarrier.arrive $0xFFFF  }
0x5b: {  	p0 =	sne.s32 s1, $0x0;
	_ =	strace $0x90000050  }
0x5c: {  	s0 =	sadd.s32 @!p0 $0x100000, s0;
	[bflag:$0x2] =	sbarrier.arrive $0xFFFF  }
0x5d: {  	[sflag:s0] =	ssyncadd.tile.s32 @!p0 $0x1;
	_ =	shalt  }
.Lfunc_end2:
_tile_overlayer_lowered:
.L_overlay_start_2:
0x5e: {  	(tag) =	ssettag $0x2  }
0x5f: {  	s0 =	rddreg [dreg:$0x0];
	s2 =	stileid.u32  }
0x60: {  	s1 =	rddreg [dreg:$0x1];
	p0 =	sne.s32 s2, $0x0  }
0x61: {  	s3 =	rddreg [dreg:$0x2];
	[bflag:$0x3] =	sbarrier.arrive $0xFFFF;
	s2 =	simm.s32 @!p0 $0x1C02  }
0x62: {  	[timem:s3], [sflag:s2] =	dma.local @!p0 [hbm:s0], s1  }
0x63: {  	s0 =	simm.s32 @!p0 $0x2  }
0x64: {  	_ =	swait.ge @!p0 [sflag:s0], s1  }
0x65: {  	s1 =	ssub.s32 @!p0 $0x0, s1;
	[sflag:s0] =	ssyncset.done @!p0 $0x0  }
0x66: {  	[sflag:s0] =	ssyncadd.s32 @!p0 s1  }
0x67: {  	[bflag:$0x3] =	sbarrier.arrive $0xFFFF  }
0x68: {  	_ =	shalt  }

</sc_bundles>
